<compile_context>
chip_gen: v7x
topology: tpu7x:2x2x1
jax: 0.10.2.dev20260603
libtpu: 0.0.44.dev20260713+nightly
codegen_flags: <defaults>
</compile_context>

<pallas_src>
import math

import jax
import jax.numpy as jnp
from jax.experimental import pallas as pl
from jax.experimental.pallas import tpu as pltpu
from jax.experimental.pallas import tpu_sc as plsc

_DIM = 32
_D2 = 64
_K = 1024
_N = 65536
_BETA = 0.25
_TN = 8192
_NT = _N // _TN
_NW = 32


def _vq_body(zt_ref, emb_ref, embm2_ref, xsq_ref, ysq_ref, iota_ref,
             idx_ref, loss_ref, zqr_ref, zqi_ref):
    zt = zt_ref[...]
    emb = emb_ref[...]

    m2dots_t = jax.lax.dot_general(
        embm2_ref[...], zt, (((1,), (0,)), ((), ())),
        preferred_element_type=jnp.float32)
    d_t = xsq_ref[...] + ysq_ref[...] + m2dots_t

    dmin_t = jnp.min(d_t, axis=0, keepdims=True)
    iota_f = iota_ref[...]
    hit = d_t == dmin_t
    idx_f = jnp.min(jnp.where(hit, iota_f, float(_K)), axis=0)
    onehot_t = (iota_f == idx_f[None, :]).astype(jnp.float32)

    zq_t = jax.lax.dot_general(
        emb, onehot_t, (((0,), (0,)), ((), ())),
        preferred_element_type=jnp.float32)

    idx_ref[0, 0, :] = idx_f.astype(jnp.int32)
    loss_ref[0, 0, :] = dmin_t[0, :] * (_BETA / _D2)
    zqr_ref[...] = zq_t[:_DIM, :]
    zqi_ref[...] = zq_t[_DIM:, :]


def _hist_body(idx_hbm, out_hbm, idx_v, ones_v, zero_v, shared):
    c = jax.lax.axis_index("c")
    s = jax.lax.axis_index("s")
    w = c * 16 + s
    pltpu.sync_copy(idx_hbm.at[w], idx_v)
    for t in range(8):
        ones_v[pl.ds(t * 16, 16)] = jnp.full((16,), 1.0, jnp.float32)

    @pl.when(s == 0)
    def _zero_shared():
        for t in range(_K // 16):
            zero_v[pl.ds(t * 16, 16)] = jnp.zeros((16,), jnp.float32)
        pltpu.sync_copy(zero_v, shared)

    plsc.subcore_barrier()
    for j in range(16):
        pltpu.sync_copy(ones_v, shared.at[idx_v.at[j]], add=True)
    plsc.subcore_barrier()

    @pl.when(s == 0)
    def _publish():
        pltpu.sync_copy(shared, out_hbm.at[c])


def _entropy_body(cnt_ref, ent_ref):
    counts = cnt_ref[0:1, :] + cnt_ref[1:2, :]
    p = counts * (1.0 / _N)
    ent = -jnp.sum(p * jnp.log(p + 1e-10), keepdims=True) / math.log(_K)
    ent_ref[...] = ent.reshape(1, 1)


def kernel(z_real, z_imag, embedding):
    z_flat = jnp.concatenate([z_real, z_imag], axis=-1)
    x_sq = jnp.sum(z_flat ** 2, axis=1, keepdims=True)
    y_sq = jnp.sum(embedding ** 2, axis=1)[:, None]
    iota_col = jnp.arange(_K, dtype=jnp.float32)[:, None]
    emb_m2 = -2.0 * embedding

    idx3, loss3, zq_re, zq_im = pl.pallas_call(
        _vq_body,
        grid=(_NT,),
        in_specs=[
            pl.BlockSpec((_D2, _TN), lambda i: (0, i)),
            pl.BlockSpec((_K, _D2), lambda i: (0, 0)),
            pl.BlockSpec((_K, _D2), lambda i: (0, 0)),
            pl.BlockSpec((1, _TN), lambda i: (0, i)),
            pl.BlockSpec((_K, 1), lambda i: (0, 0)),
            pl.BlockSpec((_K, 1), lambda i: (0, 0)),
        ],
        out_specs=[
            pl.BlockSpec((1, 1, _TN), lambda i: (i, 0, 0)),
            pl.BlockSpec((1, 1, _TN), lambda i: (i, 0, 0)),
            pl.BlockSpec((_DIM, _TN), lambda i: (0, i)),
            pl.BlockSpec((_DIM, _TN), lambda i: (0, i)),
        ],
        out_shape=[
            jax.ShapeDtypeStruct((_NT, 1, _TN), jnp.int32),
            jax.ShapeDtypeStruct((_NT, 1, _TN), jnp.float32),
            jax.ShapeDtypeStruct((_DIM, _N), jnp.float32),
            jax.ShapeDtypeStruct((_DIM, _N), jnp.float32),
        ],
    )(z_flat.T, embedding, emb_m2, x_sq.T, y_sq, iota_col)

    indices = idx3.reshape(_N)

    hist = pl.kernel(
        _hist_body,
        out_type=jax.ShapeDtypeStruct((2, _K), jnp.float32),
        mesh=plsc.VectorSubcoreMesh(core_axis_name="c", subcore_axis_name="s"),
        scratch_types=[
            pltpu.VMEM((16, 128), jnp.int32),
            pltpu.VMEM((128,), jnp.float32),
            pltpu.VMEM((_K,), jnp.float32),
            pltpu.VMEM_SHARED((_K,), jnp.float32),
        ],
    )
    counts2 = hist(indices.reshape(_NW, 16, 128))

    ent = pl.pallas_call(
        _entropy_body,
        out_shape=jax.ShapeDtypeStruct((1, 1), jnp.float32),
    )(counts2)

    loss_sample = loss3.reshape(_N)
    z_q_c = jax.lax.complex(zq_re.T, zq_im.T)
    norm_entropy = ent.reshape(())
    return (z_q_c, loss_sample, indices, norm_entropy)

# --- scband reference (transcript-rebuilt; emitter-appended) ---
"""Pipeline reference for scband-ema-vq-23536420782581 (READ-ONLY COPY).

The authoritative reference and input builder live on the scoring server;
editing this copy changes nothing except your own understanding.
"""

import jax, jax.numpy as jnp
import numpy as np
import math

DIM = 32
K = 1024
N = 65536
BETA = 0.25

def setup_inputs(seed: int = 0) -> dict:
    key = jax.random.key(seed)
    k1, k2, k3 = jax.random.split(key, 3)
    z_real = jax.random.normal(k1, (N, DIM), dtype=jnp.float32)
    z_imag = jax.random.normal(k2, (N, DIM), dtype=jnp.float32)
    embedding = jax.random.uniform(k3, (K, 2 * DIM), dtype=jnp.float32, minval=-1.0 / K, maxval=1.0 / K)
    return {"z_real": z_real, "z_imag": z_imag, "embedding": embedding}

def reference(z_real, z_imag, embedding):
    # z is complex [N, DIM]; torch does z_flat = cat([z.real, z.imag], -1)
    z_flat = jnp.concatenate([z_real, z_imag], axis=-1)
    x_sq = jnp.sum(z_flat ** 2, axis=1, keepdims=True)
    y_sq = jnp.sum(embedding ** 2, axis=1)
    d = x_sq + y_sq - 2.0 * jnp.matmul(z_flat, embedding.T)
    indices = jnp.argmin(d, axis=-1)
    z_q = jnp.take(embedding, indices, axis=0)
    # eval-mode forward: EMA buffer updates (self.training branch) are skipped
    loss_sample = BETA * jnp.mean((jax.lax.stop_gradient(z_q) - z_flat) ** 2, axis=-1)
    z_q_ste = z_flat + jax.lax.stop_gradient(z_q - z_flat)
    counts = jnp.zeros((K,), dtype=jnp.float32).at[indices].add(1.0)
    probs = counts / N
    norm_entropy = -jnp.sum(probs * jnp.log(probs + 1e-10)) / math.log(K)
    z_q_c = jax.lax.complex(z_q_ste[..., :DIM], z_q_ste[..., DIM:])
    return (z_q_c, loss_sample, indices, norm_entropy)

if __name__ == "__main__":
    import jax
    _d = setup_inputs()
    print(jax.jit(kernel)(*tuple(_d.values())))

</pallas_src>

<mosaic_0001>
#map = affine_map<(d0, d1) -> (0, 0, 0)>
#map1 = affine_map<(d0, d1) -> (0, 0)>
module attributes {stable_mosaic.version = 14 : i64} {
  func.func @_hist_body(%arg0: i32, %arg1: i32, %arg2: memref<32x16x128xi32, #tpu.memory_space<hbm>>, %arg3: memref<2x1024xf32, #tpu.memory_space<hbm>>, %arg4: memref<16x128xi32, #tpu.memory_space<vmem>>, %arg5: memref<128xf32, #tpu.memory_space<vmem>>, %arg6: memref<1024xf32, #tpu.memory_space<vmem>>, %arg7: memref<1024xf32, #tpu.memory_space<vmem_shared>>) attributes {dimension_semantics = [#tpu.dimension_semantics<core_parallel>, #tpu.dimension_semantics<subcore_parallel>], iteration_bounds = array<i64: 2, 16>, scalar_prefetch = 0 : i64, scratch_operands = 4 : i64, tpu.core_type = #tpu.core_type<sc_vector_subcore>, window_params = [{transform_indices = #map}, {transform_indices = #map1}]} {
    %mul3A = arith.constant 16 : i32
    %mul3A_0 = arith.muli %arg0, %mul3A : i32
    %add3A = arith.addi %mul3A_0, %arg1 : i32
    "tpu.region"() ({
      %run_scoped3A_70 = tpu.sem_alloc : memref<!tpu.dma_semaphore, #tpu.memory_space<semaphore_mem>>
      %dma_start3A = arith.constant 0 : i32
      %dma_start3A_71 = arith.constant 0 : i32
      %dma_start3A_72 = tpu.memref_slice %arg2[%add3A, %dma_start3A, %dma_start3A_71] : memref<32x16x128xi32, #tpu.memory_space<hbm>> -> memref<1x16x128xi32, #tpu.memory_space<hbm>>
      %dma_start3A_73 = tpu.memref_squeeze %dma_start3A_72 : memref<1x16x128xi32, #tpu.memory_space<hbm>> -> memref<16x128xi32, #tpu.memory_space<hbm>>
      %dma_start3A_74 = arith.constant 0 : i32
      %dma_start3A_75 = arith.constant 0 : i32
      %dma_start3A_76 = tpu.memref_slice %arg2[%add3A, %dma_start3A_74, %dma_start3A_75] : memref<32x16x128xi32, #tpu.memory_space<hbm>> -> memref<1x16x128xi32, #tpu.memory_space<hbm>>
      %dma_start3A_77 = tpu.memref_squeeze %dma_start3A_76 : memref<1x16x128xi32, #tpu.memory_space<hbm>> -> memref<16x128xi32, #tpu.memory_space<hbm>>
      tpu.enqueue_dma source(%dma_start3A_77 : memref<16x128xi32, #tpu.memory_space<hbm>>) target(%arg4 : memref<16x128xi32, #tpu.memory_space<vmem>>) target_semaphore(%run_scoped3A_70 : memref<!tpu.dma_semaphore, #tpu.memory_space<semaphore_mem>>)
      %dma_wait3A = arith.constant 0 : i32
      %dma_wait3A_78 = arith.constant 0 : i32
      %dma_wait3A_79 = tpu.memref_slice %arg2[%add3A, %dma_wait3A, %dma_wait3A_78] : memref<32x16x128xi32, #tpu.memory_space<hbm>> -> memref<1x16x128xi32, #tpu.memory_space<hbm>>
      %dma_wait3A_80 = tpu.memref_squeeze %dma_wait3A_79 : memref<1x16x128xi32, #tpu.memory_space<hbm>> -> memref<16x128xi32, #tpu.memory_space<hbm>>
      %dma_wait3A_81 = arith.constant 0 : i32
      %dma_wait3A_82 = arith.constant 0 : i32
      %dma_wait3A_83 = tpu.memref_slice %arg2[%add3A, %dma_wait3A_81, %dma_wait3A_82] : memref<32x16x128xi32, #tpu.memory_space<hbm>> -> memref<1x16x128xi32, #tpu.memory_space<hbm>>
      %dma_wait3A_84 = tpu.memref_squeeze %dma_wait3A_83 : memref<1x16x128xi32, #tpu.memory_space<hbm>> -> memref<16x128xi32, #tpu.memory_space<hbm>>
      tpu.wait_dma2 semaphore(%run_scoped3A_70 : memref<!tpu.dma_semaphore, #tpu.memory_space<semaphore_mem>>) src(%dma_wait3A_84 : memref<16x128xi32, #tpu.memory_space<hbm>>) dst(%arg4 : memref<16x128xi32, #tpu.memory_space<vmem>>)
      tpu.yield
    }) : () -> ()
    %broadcast_in_dim3A = arith.constant 1.000000e+00 : f32
    %broadcast_in_dim3A_1 = vector.broadcast %broadcast_in_dim3A : f32 to vector<16xf32>
    %swap3A = arith.constant 0 : index
    %swap3A_2 = tpu.vector_load %arg5[%swap3A] {strides = array<i32>} : memref<128xf32, #tpu.memory_space<vmem>>, vector<16xf32>,
    %swap3A_3 = vector.shape_cast %swap3A_2 : vector<16xf32> to vector<16xf32>
    %swap3A_4 = vector.shape_cast %broadcast_in_dim3A_1 : vector<16xf32> to vector<16xf32>
    tpu.vector_store %arg5[%swap3A], %swap3A_4 {strides = array<i32>} : memref<128xf32, #tpu.memory_space<vmem>>, vector<16xf32>,
    %broadcast_in_dim3A_5 = arith.constant 1.000000e+00 : f32
    %broadcast_in_dim3A_6 = vector.broadcast %broadcast_in_dim3A_5 : f32 to vector<16xf32>
    %swap3A_7 = arith.constant 16 : index
    %swap3A_8 = tpu.vector_load %arg5[%swap3A_7] {strides = array<i32>} : memref<128xf32, #tpu.memory_space<vmem>>, vector<16xf32>,
    %swap3A_9 = vector.shape_cast %swap3A_8 : vector<16xf32> to vector<16xf32>
    %swap3A_10 = vector.shape_cast %broadcast_in_dim3A_6 : vector<16xf32> to vector<16xf32>
    tpu.vector_store %arg5[%swap3A_7], %swap3A_10 {strides = array<i32>} : memref<128xf32, #tpu.memory_space<vmem>>, vector<16xf32>,
    %broadcast_in_dim3A_11 = arith.constant 1.000000e+00 : f32
    %broadcast_in_dim3A_12 = vector.broadcast %broadcast_in_dim3A_11 : f32 to vector<16xf32>
    %swap3A_13 = arith.constant 32 : index
    %swap3A_14 = tpu.vector_load %arg5[%swap3A_13] {strides = array<i32>} : memref<128xf32, #tpu.memory_space<vmem>>, vector<16xf32>,
    %swap3A_15 = vector.shape_cast %swap3A_14 : vector<16xf32> to vector<16xf32>
    %swap3A_16 = vector.shape_cast %broadcast_in_dim3A_12 : vector<16xf32> to vector<16xf32>
    tpu.vector_store %arg5[%swap3A_13], %swap3A_16 {strides = array<i32>} : memref<128xf32, #tpu.memory_space<vmem>>, vector<16xf32>,
    %broadcast_in_dim3A_17 = arith.constant 1.000000e+00 : f32
    %broadcast_in_dim3A_18 = vector.broadcast %broadcast_in_dim3A_17 : f32 to vector<16xf32>
    %swap3A_19 = arith.constant 48 : index
    %swap3A_20 = tpu.vector_load %arg5[%swap3A_19] {strides = array<i32>} : memref<128xf32, #tpu.memory_space<vmem>>, vector<16xf32>,
    %swap3A_21 = vector.shape_cast %swap3A_20 : vector<16xf32> to vector<16xf32>
    %swap3A_22 = vector.shape_cast %broadcast_in_dim3A_18 : vector<16xf32> to vector<16xf32>
    tpu.vector_store %arg5[%swap3A_19], %swap3A_22 {strides = array<i32>} : memref<128xf32, #tpu.memory_space<vmem>>, vector<16xf32>,
    %broadcast_in_dim3A_23 = arith.constant 1.000000e+00 : f32
    %broadcast_in_dim3A_24 = vector.broadcast %broadcast_in_dim3A_23 : f32 to vector<16xf32>
    %swap3A_25 = arith.constant 64 : index
    %swap3A_26 = tpu.vector_load %arg5[%swap3A_25] {strides = array<i32>} : memref<128xf32, #tpu.memory_space<vmem>>, vector<16xf32>,
    %swap3A_27 = vector.shape_cast %swap3A_26 : vector<16xf32> to vector<16xf32>
    %swap3A_28 = vector.shape_cast %broadcast_in_dim3A_24 : vector<16xf32> to vector<16xf32>
    tpu.vector_store %arg5[%swap3A_25], %swap3A_28 {strides = array<i32>} : memref<128xf32, #tpu.memory_space<vmem>>, vector<16xf32>,
    %broadcast_in_dim3A_29 = arith.constant 1.000000e+00 : f32
    %broadcast_in_dim3A_30 = vector.broadcast %broadcast_in_dim3A_29 : f32 to vector<16xf32>
    %swap3A_31 = arith.constant 80 : index
    %swap3A_32 = tpu.vector_load %arg5[%swap3A_31] {strides = array<i32>} : memref<128xf32, #tpu.memory_space<vmem>>, vector<16xf32>,
    %swap3A_33 = vector.shape_cast %swap3A_32 : vector<16xf32> to vector<16xf32>
    %swap3A_34 = vector.shape_cast %broadcast_in_dim3A_30 : vector<16xf32> to vector<16xf32>
    tpu.vector_store %arg5[%swap3A_31], %swap3A_34 {strides = array<i32>} : memref<128xf32, #tpu.memory_space<vmem>>, vector<16xf32>,
    %broadcast_in_dim3A_35 = arith.constant 1.000000e+00 : f32
    %broadcast_in_dim3A_36 = vector.broadcast %broadcast_in_dim3A_35 : f32 to vector<16xf32>
    %swap3A_37 = arith.constant 96 : index
    %swap3A_38 = tpu.vector_load %arg5[%swap3A_37] {strides = array<i32>} : memref<128xf32, #tpu.memory_space<vmem>>, vector<16xf32>,
    %swap3A_39 = vector.shape_cast %swap3A_38 : vector<16xf32> to vector<16xf32>
    %swap3A_40 = vector.shape_cast %broadcast_in_dim3A_36 : vector<16xf32> to vector<16xf32>
    tpu.vector_store %arg5[%swap3A_37], %swap3A_40 {strides = array<i32>} : memref<128xf32, #tpu.memory_space<vmem>>, vector<16xf32>,
    %broadcast_in_dim3A_41 = arith.constant 1.000000e+00 : f32
    %broadcast_in_dim3A_42 = vector.broadcast %broadcast_in_dim3A_41 : f32 to vector<16xf32>
    %swap3A_43 = arith.constant 112 : index
    %swap3A_44 = tpu.vector_load %arg5[%swap3A_43] {strides = array<i32>} : memref<128xf32, #tpu.memory_space<vmem>>, vector<16xf32>,
    %swap3A_45 = vector.shape_cast %swap3A_44 : vector<16xf32> to vector<16xf32>
    %swap3A_46 = vector.shape_cast %broadcast_in_dim3A_42 : vector<16xf32> to vector<16xf32>
    tpu.vector_store %arg5[%swap3A_43], %swap3A_46 {strides = array<i32>} : memref<128xf32, #tpu.memory_space<vmem>>, vector<16xf32>,
    %eq3A = arith.constant 0 : i32
    %eq3A_47 = arith.cmpi eq, %arg1, %eq3A : i32
    %convert_element_type3A = arith.extui %eq3A_47 : i1 to i32
    %cond3A = arith.constant 0 : i32
    %cond3A_48 = arith.cmpi ne, %convert_element_type3A, %cond3A : i32
    scf.if %cond3A_48 {
      %broadcast_in_dim3A_70 = arith.constant 0.000000e+00 : f32
      %broadcast_in_dim3A_71 = vector.broadcast %broadcast_in_dim3A_70 : f32 to vector<16xf32>
      %swap3A_72 = arith.constant 0 : index
      %swap3A_73 = tpu.vector_load %arg6[%swap3A_72] {strides = array<i32>} : memref<1024xf32, #tpu.memory_space<vmem>>, vector<16xf32>,
      %swap3A_74 = vector.shape_cast %swap3A_73 : vector<16xf32> to vector<16xf32>
      %swap3A_75 = vector.shape_cast %broadcast_in_dim3A_71 : vector<16xf32> to vector<16xf32>
      tpu.vector_store %arg6[%swap3A_72], %swap3A_75 {strides = array<i32>} : memref<1024xf32, #tpu.memory_space<vmem>>, vector<16xf32>,
      %broadcast_in_dim3A_76 = arith.constant 0.000000e+00 : f32
      %broadcast_in_dim3A_77 = vector.broadcast %broadcast_in_dim3A_76 : f32 to vector<16xf32>
      %swap3A_78 = arith.constant 16 : index
      %swap3A_79 = tpu.vector_load %arg6[%swap3A_78] {strides = array<i32>} : memref<1024xf32, #tpu.memory_space<vmem>>, vector<16xf32>,
      %swap3A_80 = vector.shape_cast %swap3A_79 : vector<16xf32> to vector<16xf32>
      %swap3A_81 = vector.shape_cast %broadcast_in_dim3A_77 : vector<16xf32> to vector<16xf32>
      tpu.vector_store %arg6[%swap3A_78], %swap3A_81 {strides = array<i32>} : memref<1024xf32, #tpu.memory_space<vmem>>, vector<16xf32>,
      %broadcast_in_dim3A_82 = arith.constant 0.000000e+00 : f32
      %broadcast_in_dim3A_83 = vector.broadcast %broadcast_in_dim3A_82 : f32 to vector<16xf32>
      %swap3A_84 = arith.constant 32 : index
      %swap3A_85 = tpu.vector_load %arg6[%swap3A_84] {strides = array<i32>} : memref<1024xf32, #tpu.memory_space<vmem>>, vector<16xf32>,
      %swap3A_86 = vector.shape_cast %swap3A_85 : vector<16xf32> to vector<16xf32>
      %swap3A_87 = vector.shape_cast %broadcast_in_dim3A_83 : vector<16xf32> to vector<16xf32>
      tpu.vector_store %arg6[%swap3A_84], %swap3A_87 {strides = array<i32>} : memref<1024xf32, #tpu.memory_space<vmem>>, vector<16xf32>,
      %broadcast_in_dim3A_88 = arith.constant 0.000000e+00 : f32
      %broadcast_in_dim3A_89 = vector.broadcast %broadcast_in_dim3A_88 : f32 to vector<16xf32>
      %swap3A_90 = arith.constant 48 : index
      %swap3A_91 = tpu.vector_load %arg6[%swap3A_90] {strides = array<i32>} : memref<1024xf32, #tpu.memory_space<vmem>>, vector<16xf32>,
      %swap3A_92 = vector.shape_cast %swap3A_91 : vector<16xf32> to vector<16xf32>
      %swap3A_93 = vector.shape_cast %broadcast_in_dim3A_89 : vector<16xf32> to vector<16xf32>
      tpu.vector_store %arg6[%swap3A_90], %swap3A_93 {strides = array<i32>} : memref<1024xf32, #tpu.memory_space<vmem>>, vector<16xf32>,
      %broadcast_in_dim3A_94 = arith.constant 0.000000e+00 : f32
      %broadcast_in_dim3A_95 = vector.broadcast %broadcast_in_dim3A_94 : f32 to vector<16xf32>
      %swap3A_96 = arith.constant 64 : index
      %swap3A_97 = tpu.vector_load %arg6[%swap3A_96] {strides = array<i32>} : memref<1024xf32, #tpu.memory_space<vmem>>, vector<16xf32>,
      %swap3A_98 = vector.shape_cast %swap3A_97 : vector<16xf32> to vector<16xf32>
      %swap3A_99 = vector.shape_cast %broadcast_in_dim3A_95 : vector<16xf32> to vector<16xf32>
      tpu.vector_store %arg6[%swap3A_96], %swap3A_99 {strides = array<i32>} : memref<1024xf32, #tpu.memory_space<vmem>>, vector<16xf32>,
      %broadcast_in_dim3A_100 = arith.constant 0.000000e+00 : f32
      %broadcast_in_dim3A_101 = vector.broadcast %broadcast_in_dim3A_100 : f32 to vector<16xf32>
      %swap3A_102 = arith.constant 80 : index
      %swap3A_103 = tpu.vector_load %arg6[%swap3A_102] {strides = array<i32>} : memref<1024xf32, #tpu.memory_space<vmem>>, vector<16xf32>,
      %swap3A_104 = vector.shape_cast %swap3A_103 : vector<16xf32> to vector<16xf32>
      %swap3A_105 = vector.shape_cast %broadcast_in_dim3A_101 : vector<16xf32> to vector<16xf32>
      tpu.vector_store %arg6[%swap3A_102], %swap3A_105 {strides = array<i32>} : memref<1024xf32, #tpu.memory_space<vmem>>, vector<16xf32>,
      %broadcast_in_dim3A_106 = arith.constant 0.000000e+00 : f32
      %broadcast_in_dim3A_107 = vector.broadcast %broadcast_in_dim3A_106 : f32 to vector<16xf32>
      %swap3A_108 = arith.constant 96 : index
      %swap3A_109 = tpu.vector_load %arg6[%swap3A_108] {strides = array<i32>} : memref<1024xf32, #tpu.memory_space<vmem>>, vector<16xf32>,
      %swap3A_110 = vector.shape_cast %swap3A_109 : vector<16xf32> to vector<16xf32>
      %swap3A_111 = vector.shape_cast %broadcast_in_dim3A_107 : vector<16xf32> to vector<16xf32>
      tpu.vector_store %arg6[%swap3A_108], %swap3A_111 {strides = array<i32>} : memref<1024xf32, #tpu.memory_space<vmem>>, vector<16xf32>,
      %broadcast_in_dim3A_112 = arith.constant 0.000000e+00 : f32
      %broadcast_in_dim3A_113 = vector.broadcast %broadcast_in_dim3A_112 : f32 to vector<16xf32>
      %swap3A_114 = arith.constant 112 : index
      %swap3A_115 = tpu.vector_load %arg6[%swap3A_114] {strides = array<i32>} : memref<1024xf32, #tpu.memory_space<vmem>>, vector<16xf32>,
      %swap3A_116 = vector.shape_cast %swap3A_115 : vector<16xf32> to vector<16xf32>
      %swap3A_117 = vector.shape_cast %broadcast_in_dim3A_113 : vector<16xf32> to vector<16xf32>
      tpu.vector_store %arg6[%swap3A_114], %swap3A_117 {strides = array<i32>} : memref<1024xf32, #tpu.memory_space<vmem>>, vector<16xf32>,
      %broadcast_in_dim3A_118 = arith.constant 0.000000e+00 : f32
      %broadcast_in_dim3A_119 = vector.broadcast %broadcast_in_dim3A_118 : f32 to vector<16xf32>
      %swap3A_120 = arith.constant 128 : index
      %swap3A_121 = tpu.vector_load %arg6[%swap3A_120] {strides = array<i32>} : memref<1024xf32, #tpu.memory_space<vmem>>, vector<16xf32>,
      %swap3A_122 = vector.shape_cast %swap3A_121 : vector<16xf32> to vector<16xf32>
      %swap3A_123 = vector.shape_cast %broadcast_in_dim3A_119 : vector<16xf32> to vector<16xf32>
      tpu.vector_store %arg6[%swap3A_120], %swap3A_123 {strides = array<i32>} : memref<1024xf32, #tpu.memory_space<vmem>>, vector<16xf32>,
      %broadcast_in_dim3A_124 = arith.constant 0.000000e+00 : f32
      %broadcast_in_dim3A_125 = vector.broadcast %broadcast_in_dim3A_124 : f32 to vector<16xf32>
      %swap3A_126 = arith.constant 144 : index
      %swap3A_127 = tpu.vector_load %arg6[%swap3A_126] {strides = array<i32>} : memref<1024xf32, #tpu.memory_space<vmem>>, vector<16xf32>,
      %swap3A_128 = vector.shape_cast %swap3A_127 : vector<16xf32> to vector<16xf32>
      %swap3A_129 = vector.shape_cast %broadcast_in_dim3A_125 : vector<16xf32> to vector<16xf32>
      tpu.vector_store %arg6[%swap3A_126], %swap3A_129 {strides = array<i32>} : memref<1024xf32, #tpu.memory_space<vmem>>, vector<16xf32>,
      %broadcast_in_dim3A_130 = arith.constant 0.000000e+00 : f32
      %broadcast_in_dim3A_131 = vector.broadcast %broadcast_in_dim3A_130 : f32 to vector<16xf32>
      %swap3A_132 = arith.constant 160 : index
      %swap3A_133 = tpu.vector_load %arg6[%swap3A_132] {strides = array<i32>} : memref<1024xf32, #tpu.memory_space<vmem>>, vector<16xf32>,
      %swap3A_134 = vector.shape_cast %swap3A_133 : vector<16xf32> to vector<16xf32>
      %swap3A_135 = vector.shape_cast %broadcast_in_dim3A_131 : vector<16xf32> to vector<16xf32>
      tpu.vector_store %arg6[%swap3A_132], %swap3A_135 {strides = array<i32>} : memref<1024xf32, #tpu.memory_space<vmem>>, vector<16xf32>,
      %broadcast_in_dim3A_136 = arith.constant 0.000000e+00 : f32
      %broadcast_in_dim3A_137 = vector.broadcast %broadcast_in_dim3A_136 : f32 to vector<16xf32>
      %swap3A_138 = arith.constant 176 : index
      %swap3A_139 = tpu.vector_load %arg6[%swap3A_138] {strides = array<i32>} : memref<1024xf32, #tpu.memory_space<vmem>>, vector<16xf32>,
      %swap3A_140 = vector.shape_cast %swap3A_139 : vector<16xf32> to vector<16xf32>
      %swap3A_141 = vector.shape_cast %broadcast_in_dim3A_137 : vector<16xf32> to vector<16xf32>
      tpu.vector_store %arg6[%swap3A_138], %swap3A_141 {strides = array<i32>} : memref<1024xf32, #tpu.memory_space<vmem>>, vector<16xf32>,
      %broadcast_in_dim3A_142 = arith.constant 0.000000e+00 : f32
      %broadcast_in_dim3A_143 = vector.broadcast %broadcast_in_dim3A_142 : f32 to vector<16xf32>
      %swap3A_144 = arith.constant 192 : index
      %swap3A_145 = tpu.vector_load %arg6[%swap3A_144] {strides = array<i32>} : memref<1024xf32, #tpu.memory_space<vmem>>, vector<16xf32>,
      %swap3A_146 = vector.shape_cast %swap3A_145 : vector<16xf32> to vector<16xf32>
      %swap3A_147 = vector.shape_cast %broadcast_in_dim3A_143 : vector<16xf32> to vector<16xf32>
      tpu.vector_store %arg6[%swap3A_144], %swap3A_147 {strides = array<i32>} : memref<1024xf32, #tpu.memory_space<vmem>>, vector<16xf32>,
      %broadcast_in_dim3A_148 = arith.constant 0.000000e+00 : f32
      %broadcast_in_dim3A_149 = vector.broadcast %broadcast_in_dim3A_148 : f32 to vector<16xf32>
      %swap3A_150 = arith.constant 208 : index
      %swap3A_151 = tpu.vector_load %arg6[%swap3A_150] {strides = array<i32>} : memref<1024xf32, #tpu.memory_space<vmem>>, vector<16xf32>,
      %swap3A_152 = vector.shape_cast %swap3A_151 : vector<16xf32> to vector<16xf32>
      %swap3A_153 = vector.shape_cast %broadcast_in_dim3A_149 : vector<16xf32> to vector<16xf32>
      tpu.vector_store %arg6[%swap3A_150], %swap3A_153 {strides = array<i32>} : memref<1024xf32, #tpu.memory_space<vmem>>, vector<16xf32>,
      %broadcast_in_dim3A_154 = arith.constant 0.000000e+00 : f32
      %broadcast_in_dim3A_155 = vector.broadcast %broadcast_in_dim3A_154 : f32 to vector<16xf32>
      %swap3A_156 = arith.constant 224 : index
      %swap3A_157 = tpu.vector_load %arg6[%swap3A_156] {strides = array<i32>} : memref<1024xf32, #tpu.memory_space<vmem>>, vector<16xf32>,
      %swap3A_158 = vector.shape_cast %swap3A_157 : vector<16xf32> to vector<16xf32>
      %swap3A_159 = vector.shape_cast %broadcast_in_dim3A_155 : vector<16xf32> to vector<16xf32>
      tpu.vector_store %arg6[%swap3A_156], %swap3A_159 {strides = array<i32>} : memref<1024xf32, #tpu.memory_space<vmem>>, vector<16xf32>,
      %broadcast_in_dim3A_160 = arith.constant 0.000000e+00 : f32
      %broadcast_in_dim3A_161 = vector.broadcast %broadcast_in_dim3A_160 : f32 to vector<16xf32>
      %swap3A_162 = arith.constant 240 : index
      %swap3A_163 = tpu.vector_load %arg6[%swap3A_162] {strides = array<i32>} : memref<1024xf32, #tpu.memory_space<vmem>>, vector<16xf32>,
      %swap3A_164 = vector.shape_cast %swap3A_163 : vector<16xf32> to vector<16xf32>
      %swap3A_165 = vector.shape_cast %broadcast_in_dim3A_161 : vector<16xf32> to vector<16xf32>
      tpu.vector_store %arg6[%swap3A_162], %swap3A_165 {strides = array<i32>} : memref<1024xf32, #tpu.memory_space<vmem>>, vector<16xf32>,
      %broadcast_in_dim3A_166 = arith.constant 0.000000e+00 : f32
      %broadcast_in_dim3A_167 = vector.broadcast %broadcast_in_dim3A_166 : f32 to vector<16xf32>
      %swap3A_168 = arith.constant 256 : index
      %swap3A_169 = tpu.vector_load %arg6[%swap3A_168] {strides = array<i32>} : memref<1024xf32, #tpu.memory_space<vmem>>, vector<16xf32>,
      %swap3A_170 = vector.shape_cast %swap3A_169 : vector<16xf32> to vector<16xf32>
      %swap3A_171 = vector.shape_cast %broadcast_in_dim3A_167 : vector<16xf32> to vector<16xf32>
      tpu.vector_store %arg6[%swap3A_168], %swap3A_171 {strides = array<i32>} : memref<1024xf32, #tpu.memory_space<vmem>>, vector<16xf32>,
      %broadcast_in_dim3A_172 = arith.constant 0.000000e+00 : f32
      %broadcast_in_dim3A_173 = vector.broadcast %broadcast_in_dim3A_172 : f32 to vector<16xf32>
      %swap3A_174 = arith.constant 272 : index
      %swap3A_175 = tpu.vector_load %arg6[%swap3A_174] {strides = array<i32>} : memref<1024xf32, #tpu.memory_space<vmem>>, vector<16xf32>,
      %swap3A_176 = vector.shape_cast %swap3A_175 : vector<16xf32> to vector<16xf32>
      %swap3A_177 = vector.shape_cast %broadcast_in_dim3A_173 : vector<16xf32> to vector<16xf32>
      tpu.vector_store %arg6[%swap3A_174], %swap3A_177 {strides = array<i32>} : memref<1024xf32, #tpu.memory_space<vmem>>, vector<16xf32>,
      %broadcast_in_dim3A_178 = arith.constant 0.000000e+00 : f32
      %broadcast_in_dim3A_179 = vector.broadcast %broadcast_in_dim3A_178 : f32 to vector<16xf32>
      %swap3A_180 = arith.constant 288 : index
      %swap3A_181 = tpu.vector_load %arg6[%swap3A_180] {strides = array<i32>} : memref<1024xf32, #tpu.memory_space<vmem>>, vector<16xf32>,
      %swap3A_182 = vector.shape_cast %swap3A_181 : vector<16xf32> to vector<16xf32>
      %swap3A_183 = vector.shape_cast %broadcast_in_dim3A_179 : vector<16xf32> to vector<16xf32>
      tpu.vector_store %arg6[%swap3A_180], %swap3A_183 {strides = array<i32>} : memref<1024xf32, #tpu.memory_space<vmem>>, vector<16xf32>,
      %broadcast_in_dim3A_184 = arith.constant 0.000000e+00 : f32
      %broadcast_in_dim3A_185 = vector.broadcast %broadcast_in_dim3A_184 : f32 to vector<16xf32>
      %swap3A_186 = arith.constant 304 : index
      %swap3A_187 = tpu.vector_load %arg6[%swap3A_186] {strides = array<i32>} : memref<1024xf32, #tpu.memory_space<vmem>>, vector<16xf32>,
      %swap3A_188 = vector.shape_cast %swap3A_187 : vector<16xf32> to vector<16xf32>
      %swap3A_189 = vector.shape_cast %broadcast_in_dim3A_185 : vector<16xf32> to vector<16xf32>
      tpu.vector_store %arg6[%swap3A_186], %swap3A_189 {strides = array<i32>} : memref<1024xf32, #tpu.memory_space<vmem>>, vector<16xf32>,
      %broadcast_in_dim3A_190 = arith.constant 0.000000e+00 : f32
      %broadcast_in_dim3A_191 = vector.broadcast %broadcast_in_dim3A_190 : f32 to vector<16xf32>
      %swap3A_192 = arith.constant 320 : index
      %swap3A_193 = tpu.vector_load %arg6[%swap3A_192] {strides = array<i32>} : memref<1024xf32, #tpu.memory_space<vmem>>, vector<16xf32>,
      %swap3A_194 = vector.shape_cast %swap3A_193 : vector<16xf32> to vector<16xf32>
      %swap3A_195 = vector.shape_cast %broadcast_in_dim3A_191 : vector<16xf32> to vector<16xf32>
      tpu.vector_store %arg6[%swap3A_192], %swap3A_195 {strides = array<i32>} : memref<1024xf32, #tpu.memory_space<vmem>>, vector<16xf32>,
      %broadcast_in_dim3A_196 = arith.constant 0.000000e+00 : f32
      %broadcast_in_dim3A_197 = vector.broadcast %broadcast_in_dim3A_196 : f32 to vector<16xf32>
      %swap3A_198 = arith.constant 336 : index
      %swap3A_199 = tpu.vector_load %arg6[%swap3A_198] {strides = array<i32>} : memref<1024xf32, #tpu.memory_space<vmem>>, vector<16xf32>,
      %swap3A_200 = vector.shape_cast %swap3A_199 : vector<16xf32> to vector<16xf32>
      %swap3A_201 = vector.shape_cast %broadcast_in_dim3A_197 : vector<16xf32> to vector<16xf32>
      tpu.vector_store %arg6[%swap3A_198], %swap3A_201 {strides = array<i32>} : memref<1024xf32, #tpu.memory_space<vmem>>, vector<16xf32>,
      %broadcast_in_dim3A_202 = arith.constant 0.000000e+00 : f32
      %broadcast_in_dim3A_203 = vector.broadcast %broadcast_in_dim3A_202 : f32 to vector<16xf32>
      %swap3A_204 = arith.constant 352 : index
      %swap3A_205 = tpu.vector_load %arg6[%swap3A_204] {strides = array<i32>} : memref<1024xf32, #tpu.memory_space<vmem>>, vector<16xf32>,
      %swap3A_206 = vector.shape_cast %swap3A_205 : vector<16xf32> to vector<16xf32>
      %swap3A_207 = vector.shape_cast %broadcast_in_dim3A_203 : vector<16xf32> to vector<16xf32>
      tpu.vector_store %arg6[%swap3A_204], %swap3A_207 {strides = array<i32>} : memref<1024xf32, #tpu.memory_space<vmem>>, vector<16xf32>,
      %broadcast_in_dim3A_208 = arith.constant 0.000000e+00 : f32
      %broadcast_in_dim3A_209 = vector.broadcast %broadcast_in_dim3A_208 : f32 to vector<16xf32>
      %swap3A_210 = arith.constant 368 : index
      %swap3A_211 = tpu.vector_load %arg6[%swap3A_210] {strides = array<i32>} : memref<1024xf32, #tpu.memory_space<vmem>>, vector<16xf32>,
      %swap3A_212 = vector.shape_cast %swap3A_211 : vector<16xf32> to vector<16xf32>
      %swap3A_213 = vector.shape_cast %broadcast_in_dim3A_209 : vector<16xf32> to vector<16xf32>
      tpu.vector_store %arg6[%swap3A_210], %swap3A_213 {strides = array<i32>} : memref<1024xf32, #tpu.memory_space<vmem>>, vector<16xf32>,
      %broadcast_in_dim3A_214 = arith.constant 0.000000e+00 : f32
      %broadcast_in_dim3A_215 = vector.broadcast %broadcast_in_dim3A_214 : f32 to vector<16xf32>
      %swap3A_216 = arith.constant 384 : index
      %swap3A_217 = tpu.vector_load %arg6[%swap3A_216] {strides = array<i32>} : memref<1024xf32, #tpu.memory_space<vmem>>, vector<16xf32>,
      %swap3A_218 = vector.shape_cast %swap3A_217 : vector<16xf32> to vector<16xf32>
      %swap3A_219 = vector.shape_cast %broadcast_in_dim3A_215 : vector<16xf32> to vector<16xf32>
      tpu.vector_store %arg6[%swap3A_216], %swap3A_219 {strides = array<i32>} : memref<1024xf32, #tpu.memory_space<vmem>>, vector<16xf32>,
      %broadcast_in_dim3A_220 = arith.constant 0.000000e+00 : f32
      %broadcast_in_dim3A_221 = vector.broadcast %broadcast_in_dim3A_220 : f32 to vector<16xf32>
      %swap3A_222 = arith.constant 400 : index
      %swap3A_223 = tpu.vector_load %arg6[%swap3A_222] {strides = array<i32>} : memref<1024xf32, #tpu.memory_space<vmem>>, vector<16xf32>,
      %swap3A_224 = vector.shape_cast %swap3A_223 : vector<16xf32> to vector<16xf32>
      %swap3A_225 = vector.shape_cast %broadcast_in_dim3A_221 : vector<16xf32> to vector<16xf32>
      tpu.vector_store %arg6[%swap3A_222], %swap3A_225 {strides = array<i32>} : memref<1024xf32, #tpu.memory_space<vmem>>, vector<16xf32>,
      %broadcast_in_dim3A_226 = arith.constant 0.000000e+00 : f32
      %broadcast_in_dim3A_227 = vector.broadcast %broadcast_in_dim3A_226 : f32 to vector<16xf32>
      %swap3A_228 = arith.constant 416 : index
      %swap3A_229 = tpu.vector_load %arg6[%swap3A_228] {strides = array<i32>} : memref<1024xf32, #tpu.memory_space<vmem>>, vector<16xf32>,
      %swap3A_230 = vector.shape_cast %swap3A_229 : vector<16xf32> to vector<16xf32>
      %swap3A_231 = vector.shape_cast %broadcast_in_dim3A_227 : vector<16xf32> to vector<16xf32>
      tpu.vector_store %arg6[%swap3A_228], %swap3A_231 {strides = array<i32>} : memref<1024xf32, #tpu.memory_space<vmem>>, vector<16xf32>,
      %broadcast_in_dim3A_232 = arith.constant 0.000000e+00 : f32
      %broadcast_in_dim3A_233 = vector.broadcast %broadcast_in_dim3A_232 : f32 to vector<16xf32>
      %swap3A_234 = arith.constant 432 : index
      %swap3A_235 = tpu.vector_load %arg6[%swap3A_234] {strides = array<i32>} : memref<1024xf32, #tpu.memory_space<vmem>>, vector<16xf32>,
      %swap3A_236 = vector.shape_cast %swap3A_235 : vector<16xf32> to vector<16xf32>
      %swap3A_237 = vector.shape_cast %broadcast_in_dim3A_233 : vector<16xf32> to vector<16xf32>
      tpu.vector_store %arg6[%swap3A_234], %swap3A_237 {strides = array<i32>} : memref<1024xf32, #tpu.memory_space<vmem>>, vector<16xf32>,
      %broadcast_in_dim3A_238 = arith.constant 0.000000e+00 : f32
      %broadcast_in_dim3A_239 = vector.broadcast %broadcast_in_dim3A_238 : f32 to vector<16xf32>
      %swap3A_240 = arith.constant 448 : index
      %swap3A_241 = tpu.vector_load %arg6[%swap3A_240] {strides = array<i32>} : memref<1024xf32, #tpu.memory_space<vmem>>, vector<16xf32>,
      %swap3A_242 = vector.shape_cast %swap3A_241 : vector<16xf32> to vector<16xf32>
      %swap3A_243 = vector.shape_cast %broadcast_in_dim3A_239 : vector<16xf32> to vector<16xf32>
      tpu.vector_store %arg6[%swap3A_240], %swap3A_243 {strides = array<i32>} : memref<1024xf32, #tpu.memory_space<vmem>>, vector<16xf32>,
      %broadcast_in_dim3A_244 = arith.constant 0.000000e+00 : f32
      %broadcast_in_dim3A_245 = vector.broadcast %broadcast_in_dim3A_244 : f32 to vector<16xf32>
      %swap3A_246 = arith.constant 464 : index
      %swap3A_247 = tpu.vector_load %arg6[%swap3A_246] {strides = array<i32>} : memref<1024xf32, #tpu.memory_space<vmem>>, vector<16xf32>,
      %swap3A_248 = vector.shape_cast %swap3A_247 : vector<16xf32> to vector<16xf32>
      %swap3A_249 = vector.shape_cast %broadcast_in_dim3A_245 : vector<16xf32> to vector<16xf32>
      tpu.vector_store %arg6[%swap3A_246], %swap3A_249 {strides = array<i32>} : memref<1024xf32, #tpu.memory_space<vmem>>, vector<16xf32>,
      %broadcast_in_dim3A_250 = arith.constant 0.000000e+00 : f32
      %broadcast_in_dim3A_251 = vector.broadcast %broadcast_in_dim3A_250 : f32 to vector<16xf32>
      %swap3A_252 = arith.constant 480 : index
      %swap3A_253 = tpu.vector_load %arg6[%swap3A_252] {strides = array<i32>} : memref<1024xf32, #tpu.memory_space<vmem>>, vector<16xf32>,
      %swap3A_254 = vector.shape_cast %swap3A_253 : vector<16xf32> to vector<16xf32>
      %swap3A_255 = vector.shape_cast %broadcast_in_dim3A_251 : vector<16xf32> to vector<16xf32>
      tpu.vector_store %arg6[%swap3A_252], %swap3A_255 {strides = array<i32>} : memref<1024xf32, #tpu.memory_space<vmem>>, vector<16xf32>,
      %broadcast_in_dim3A_256 = arith.constant 0.000000e+00 : f32
      %broadcast_in_dim3A_257 = vector.broadcast %broadcast_in_dim3A_256 : f32 to vector<16xf32>
      %swap3A_258 = arith.constant 496 : index
      %swap3A_259 = tpu.vector_load %arg6[%swap3A_258] {strides = array<i32>} : memref<1024xf32, #tpu.memory_space<vmem>>, vector<16xf32>,
      %swap3A_260 = vector.shape_cast %swap3A_259 : vector<16xf32> to vector<16xf32>
      %swap3A_261 = vector.shape_cast %broadcast_in_dim3A_257 : vector<16xf32> to vector<16xf32>
      tpu.vector_store %arg6[%swap3A_258], %swap3A_261 {strides = array<i32>} : memref<1024xf32, #tpu.memory_space<vmem>>, vector<16xf32>,
      %broadcast_in_dim3A_262 = arith.constant 0.000000e+00 : f32
      %broadcast_in_dim3A_263 = vector.broadcast %broadcast_in_dim3A_262 : f32 to vector<16xf32>
      %swap3A_264 = arith.constant 512 : index
      %swap3A_265 = tpu.vector_load %arg6[%swap3A_264] {strides = array<i32>} : memref<1024xf32, #tpu.memory_space<vmem>>, vector<16xf32>,
      %swap3A_266 = vector.shape_cast %swap3A_265 : vector<16xf32> to vector<16xf32>
      %swap3A_267 = vector.shape_cast %broadcast_in_dim3A_263 : vector<16xf32> to vector<16xf32>
      tpu.vector_store %arg6[%swap3A_264], %swap3A_267 {strides = array<i32>} : memref<1024xf32, #tpu.memory_space<vmem>>, vector<16xf32>,
      %broadcast_in_dim3A_268 = arith.constant 0.000000e+00 : f32
      %broadcast_in_dim3A_269 = vector.broadcast %broadcast_in_dim3A_268 : f32 to vector<16xf32>
      %swap3A_270 = arith.constant 528 : index
      %swap3A_271 = tpu.vector_load %arg6[%swap3A_270] {strides = array<i32>} : memref<1024xf32, #tpu.memory_space<vmem>>, vector<16xf32>,
      %swap3A_272 = vector.shape_cast %swap3A_271 : vector<16xf32> to vector<16xf32>
      %swap3A_273 = vector.shape_cast %broadcast_in_dim3A_269 : vector<16xf32> to vector<16xf32>
      tpu.vector_store %arg6[%swap3A_270], %swap3A_273 {strides = array<i32>} : memref<1024xf32, #tpu.memory_space<vmem>>, vector<16xf32>,
      %broadcast_in_dim3A_274 = arith.constant 0.000000e+00 : f32
      %broadcast_in_dim3A_275 = vector.broadcast %broadcast_in_dim3A_274 : f32 to vector<16xf32>
      %swap3A_276 = arith.constant 544 : index
      %swap3A_277 = tpu.vector_load %arg6[%swap3A_276] {strides = array<i32>} : memref<1024xf32, #tpu.memory_space<vmem>>, vector<16xf32>,
      %swap3A_278 = vector.shape_cast %swap3A_277 : vector<16xf32> to vector<16xf32>
      %swap3A_279 = vector.shape_cast %broadcast_in_dim3A_275 : vector<16xf32> to vector<16xf32>
      tpu.vector_store %arg6[%swap3A_276], %swap3A_279 {strides = array<i32>} : memref<1024xf32, #tpu.memory_space<vmem>>, vector<16xf32>,
      %broadcast_in_dim3A_280 = arith.constant 0.000000e+00 : f32
      %broadcast_in_dim3A_281 = vector.broadcast %broadcast_in_dim3A_280 : f32 to vector<16xf32>
      %swap3A_282 = arith.constant 560 : index
      %swap3A_283 = tpu.vector_load %arg6[%swap3A_282] {strides = array<i32>} : memref<1024xf32, #tpu.memory_space<vmem>>, vector<16xf32>,
      %swap3A_284 = vector.shape_cast %swap3A_283 : vector<16xf32> to vector<16xf32>
      %swap3A_285 = vector.shape_cast %broadcast_in_dim3A_281 : vector<16xf32> to vector<16xf32>
      tpu.vector_store %arg6[%swap3A_282], %swap3A_285 {strides = array<i32>} : memref<1024xf32, #tpu.memory_space<vmem>>, vector<16xf32>,
      %broadcast_in_dim3A_286 = arith.constant 0.000000e+00 : f32
      %broadcast_in_dim3A_287 = vector.broadcast %broadcast_in_dim3A_286 : f32 to vector<16xf32>
      %swap3A_288 = arith.constant 576 : index
      %swap3A_289 = tpu.vector_load %arg6[%swap3A_288] {strides = array<i32>} : memref<1024xf32, #tpu.memory_space<vmem>>, vector<16xf32>,
      %swap3A_290 = vector.shape_cast %swap3A_289 : vector<16xf32> to vector<16xf32>
      %swap3A_291 = vector.shape_cast %broadcast_in_dim3A_287 : vector<16xf32> to vector<16xf32>
      tpu.vector_store %arg6[%swap3A_288], %swap3A_291 {strides = array<i32>} : memref<1024xf32, #tpu.memory_space<vmem>>, vector<16xf32>,
      %broadcast_in_dim3A_292 = arith.constant 0.000000e+00 : f32
      %broadcast_in_dim3A_293 = vector.broadcast %broadcast_in_dim3A_292 : f32 to vector<16xf32>
      %swap3A_294 = arith.constant 592 : index
      %swap3A_295 = tpu.vector_load %arg6[%swap3A_294] {strides = array<i32>} : memref<1024xf32, #tpu.memory_space<vmem>>, vector<16xf32>,
      %swap3A_296 = vector.shape_cast %swap3A_295 : vector<16xf32> to vector<16xf32>
      %swap3A_297 = vector.shape_cast %broadcast_in_dim3A_293 : vector<16xf32> to vector<16xf32>
      tpu.vector_store %arg6[%swap3A_294], %swap3A_297 {strides = array<i32>} : memref<1024xf32, #tpu.memory_space<vmem>>, vector<16xf32>,
      %broadcast_in_dim3A_298 = arith.constant 0.000000e+00 : f32
      %broadcast_in_dim3A_299 = vector.broadcast %broadcast_in_dim3A_298 : f32 to vector<16xf32>
      %swap3A_300 = arith.constant 608 : index
      %swap3A_301 = tpu.vector_load %arg6[%swap3A_300] {strides = array<i32>} : memref<1024xf32, #tpu.memory_space<vmem>>, vector<16xf32>,
      %swap3A_302 = vector.shape_cast %swap3A_301 : vector<16xf32> to vector<16xf32>
      %swap3A_303 = vector.shape_cast %broadcast_in_dim3A_299 : vector<16xf32> to vector<16xf32>
      tpu.vector_store %arg6[%swap3A_300], %swap3A_303 {strides = array<i32>} : memref<1024xf32, #tpu.memory_space<vmem>>, vector<16xf32>,
      %broadcast_in_dim3A_304 = arith.constant 0.000000e+00 : f32
      %broadcast_in_dim3A_305 = vector.broadcast %broadcast_in_dim3A_304 : f32 to vector<16xf32>
      %swap3A_306 = arith.constant 624 : index
      %swap3A_307 = tpu.vector_load %arg6[%swap3A_306] {strides = array<i32>} : memref<1024xf32, #tpu.memory_space<vmem>>, vector<16xf32>,
      %swap3A_308 = vector.shape_cast %swap3A_307 : vector<16xf32> to vector<16xf32>
      %swap3A_309 = vector.shape_cast %broadcast_in_dim3A_305 : vector<16xf32> to vector<16xf32>
      tpu.vector_store %arg6[%swap3A_306], %swap3A_309 {strides = array<i32>} : memref<1024xf32, #tpu.memory_space<vmem>>, vector<16xf32>,
      %broadcast_in_dim3A_310 = arith.constant 0.000000e+00 : f32
      %broadcast_in_dim3A_311 = vector.broadcast %broadcast_in_dim3A_310 : f32 to vector<16xf32>
      %swap3A_312 = arith.constant 640 : index
      %swap3A_313 = tpu.vector_load %arg6[%swap3A_312] {strides = array<i32>} : memref<1024xf32, #tpu.memory_space<vmem>>, vector<16xf32>,
      %swap3A_314 = vector.shape_cast %swap3A_313 : vector<16xf32> to vector<16xf32>
      %swap3A_315 = vector.shape_cast %broadcast_in_dim3A_311 : vector<16xf32> to vector<16xf32>
      tpu.vector_store %arg6[%swap3A_312], %swap3A_315 {strides = array<i32>} : memref<1024xf32, #tpu.memory_space<vmem>>, vector<16xf32>,
      %broadcast_in_dim3A_316 = arith.constant 0.000000e+00 : f32
      %broadcast_in_dim3A_317 = vector.broadcast %broadcast_in_dim3A_316 : f32 to vector<16xf32>
      %swap3A_318 = arith.constant 656 : index
      %swap3A_319 = tpu.vector_load %arg6[%swap3A_318] {strides = array<i32>} : memref<1024xf32, #tpu.memory_space<vmem>>, vector<16xf32>,
      %swap3A_320 = vector.shape_cast %swap3A_319 : vector<16xf32> to vector<16xf32>
      %swap3A_321 = vector.shape_cast %broadcast_in_dim3A_317 : vector<16xf32> to vector<16xf32>
      tpu.vector_store %arg6[%swap3A_318], %swap3A_321 {strides = array<i32>} : memref<1024xf32, #tpu.memory_space<vmem>>, vector<16xf32>,
      %broadcast_in_dim3A_322 = arith.constant 0.000000e+00 : f32
      %broadcast_in_dim3A_323 = vector.broadcast %broadcast_in_dim3A_322 : f32 to vector<16xf32>
      %swap3A_324 = arith.constant 672 : index
      %swap3A_325 = tpu.vector_load %arg6[%swap3A_324] {strides = array<i32>} : memref<1024xf32, #tpu.memory_space<vmem>>, vector<16xf32>,
      %swap3A_326 = vector.shape_cast %swap3A_325 : vector<16xf32> to vector<16xf32>
      %swap3A_327 = vector.shape_cast %broadcast_in_dim3A_323 : vector<16xf32> to vector<16xf32>
      tpu.vector_store %arg6[%swap3A_324], %swap3A_327 {strides = array<i32>} : memref<1024xf32, #tpu.memory_space<vmem>>, vector<16xf32>,
      %broadcast_in_dim3A_328 = arith.constant 0.000000e+00 : f32
      %broadcast_in_dim3A_329 = vector.broadcast %broadcast_in_dim3A_328 : f32 to vector<16xf32>
      %swap3A_330 = arith.constant 688 : index
      %swap3A_331 = tpu.vector_load %arg6[%swap3A_330] {strides = array<i32>} : memref<1024xf32, #tpu.memory_space<vmem>>, vector<16xf32>,
      %swap3A_332 = vector.shape_cast %swap3A_331 : vector<16xf32> to vector<16xf32>
      %swap3A_333 = vector.shape_cast %broadcast_in_dim3A_329 : vector<16xf32> to vector<16xf32>
      tpu.vector_store %arg6[%swap3A_330], %swap3A_333 {strides = array<i32>} : memref<1024xf32, #tpu.memory_space<vmem>>, vector<16xf32>,
      %broadcast_in_dim3A_334 = arith.constant 0.000000e+00 : f32
      %broadcast_in_dim3A_335 = vector.broadcast %broadcast_in_dim3A_334 : f32 to vector<16xf32>
      %swap3A_336 = arith.constant 704 : index
      %swap3A_337 = tpu.vector_load %arg6[%swap3A_336] {strides = array<i32>} : memref<1024xf32, #tpu.memory_space<vmem>>, vector<16xf32>,
      %swap3A_338 = vector.shape_cast %swap3A_337 : vector<16xf32> to vector<16xf32>
      %swap3A_339 = vector.shape_cast %broadcast_in_dim3A_335 : vector<16xf32> to vector<16xf32>
      tpu.vector_store %arg6[%swap3A_336], %swap3A_339 {strides = array<i32>} : memref<1024xf32, #tpu.memory_space<vmem>>, vector<16xf32>,
      %broadcast_in_dim3A_340 = arith.constant 0.000000e+00 : f32
      %broadcast_in_dim3A_341 = vector.broadcast %broadcast_in_dim3A_340 : f32 to vector<16xf32>
      %swap3A_342 = arith.constant 720 : index
      %swap3A_343 = tpu.vector_load %arg6[%swap3A_342] {strides = array<i32>} : memref<1024xf32, #tpu.memory_space<vmem>>, vector<16xf32>,
      %swap3A_344 = vector.shape_cast %swap3A_343 : vector<16xf32> to vector<16xf32>
      %swap3A_345 = vector.shape_cast %broadcast_in_dim3A_341 : vector<16xf32> to vector<16xf32>
      tpu.vector_store %arg6[%swap3A_342], %swap3A_345 {strides = array<i32>} : memref<1024xf32, #tpu.memory_space<vmem>>, vector<16xf32>,
      %broadcast_in_dim3A_346 = arith.constant 0.000000e+00 : f32
      %broadcast_in_dim3A_347 = vector.broadcast %broadcast_in_dim3A_346 : f32 to vector<16xf32>
      %swap3A_348 = arith.constant 736 : index
      %swap3A_349 = tpu.vector_load %arg6[%swap3A_348] {strides = array<i32>} : memref<1024xf32, #tpu.memory_space<vmem>>, vector<16xf32>,
      %swap3A_350 = vector.shape_cast %swap3A_349 : vector<16xf32> to vector<16xf32>
      %swap3A_351 = vector.shape_cast %broadcast_in_dim3A_347 : vector<16xf32> to vector<16xf32>
      tpu.vector_store %arg6[%swap3A_348], %swap3A_351 {strides = array<i32>} : memref<1024xf32, #tpu.memory_space<vmem>>, vector<16xf32>,
      %broadcast_in_dim3A_352 = arith.constant 0.000000e+00 : f32
      %broadcast_in_dim3A_353 = vector.broadcast %broadcast_in_dim3A_352 : f32 to vector<16xf32>
      %swap3A_354 = arith.constant 752 : index
      %swap3A_355 = tpu.vector_load %arg6[%swap3A_354] {strides = array<i32>} : memref<1024xf32, #tpu.memory_space<vmem>>, vector<16xf32>,
      %swap3A_356 = vector.shape_cast %swap3A_355 : vector<16xf32> to vector<16xf32>
      %swap3A_357 = vector.shape_cast %broadcast_in_dim3A_353 : vector<16xf32> to vector<16xf32>
      tpu.vector_store %arg6[%swap3A_354], %swap3A_357 {strides = array<i32>} : memref<1024xf32, #tpu.memory_space<vmem>>, vector<16xf32>,
      %broadcast_in_dim3A_358 = arith.constant 0.000000e+00 : f32
      %broadcast_in_dim3A_359 = vector.broadcast %broadcast_in_dim3A_358 : f32 to vector<16xf32>
      %swap3A_360 = arith.constant 768 : index
      %swap3A_361 = tpu.vector_load %arg6[%swap3A_360] {strides = array<i32>} : memref<1024xf32, #tpu.memory_space<vmem>>, vector<16xf32>,
      %swap3A_362 = vector.shape_cast %swap3A_361 : vector<16xf32> to vector<16xf32>
      %swap3A_363 = vector.shape_cast %broadcast_in_dim3A_359 : vector<16xf32> to vector<16xf32>
      tpu.vector_store %arg6[%swap3A_360], %swap3A_363 {strides = array<i32>} : memref<1024xf32, #tpu.memory_space<vmem>>, vector<16xf32>,
      %broadcast_in_dim3A_364 = arith.constant 0.000000e+00 : f32
      %broadcast_in_dim3A_365 = vector.broadcast %broadcast_in_dim3A_364 : f32 to vector<16xf32>
      %swap3A_366 = arith.constant 784 : index
      %swap3A_367 = tpu.vector_load %arg6[%swap3A_366] {strides = array<i32>} : memref<1024xf32, #tpu.memory_space<vmem>>, vector<16xf32>,
      %swap3A_368 = vector.shape_cast %swap3A_367 : vector<16xf32> to vector<16xf32>
      %swap3A_369 = vector.shape_cast %broadcast_in_dim3A_365 : vector<16xf32> to vector<16xf32>
      tpu.vector_store %arg6[%swap3A_366], %swap3A_369 {strides = array<i32>} : memref<1024xf32, #tpu.memory_space<vmem>>, vector<16xf32>,
      %broadcast_in_dim3A_370 = arith.constant 0.000000e+00 : f32
      %broadcast_in_dim3A_371 = vector.broadcast %broadcast_in_dim3A_370 : f32 to vector<16xf32>
      %swap3A_372 = arith.constant 800 : index
      %swap3A_373 = tpu.vector_load %arg6[%swap3A_372] {strides = array<i32>} : memref<1024xf32, #tpu.memory_space<vmem>>, vector<16xf32>,
      %swap3A_374 = vector.shape_cast %swap3A_373 : vector<16xf32> to vector<16xf32>
      %swap3A_375 = vector.shape_cast %broadcast_in_dim3A_371 : vector<16xf32> to vector<16xf32>
      tpu.vector_store %arg6[%swap3A_372], %swap3A_375 {strides = array<i32>} : memref<1024xf32, #tpu.memory_space<vmem>>, vector<16xf32>,
      %broadcast_in_dim3A_376 = arith.constant 0.000000e+00 : f32
      %broadcast_in_dim3A_377 = vector.broadcast %broadcast_in_dim3A_376 : f32 to vector<16xf32>
      %swap3A_378 = arith.constant 816 : index
      %swap3A_379 = tpu.vector_load %arg6[%swap3A_378] {strides = array<i32>} : memref<1024xf32, #tpu.memory_space<vmem>>, vector<16xf32>,
      %swap3A_380 = vector.shape_cast %swap3A_379 : vector<16xf32> to vector<16xf32>
      %swap3A_381 = vector.shape_cast %broadcast_in_dim3A_377 : vector<16xf32> to vector<16xf32>
      tpu.vector_store %arg6[%swap3A_378], %swap3A_381 {strides = array<i32>} : memref<1024xf32, #tpu.memory_space<vmem>>, vector<16xf32>,
      %broadcast_in_dim3A_382 = arith.constant 0.000000e+00 : f32
      %broadcast_in_dim3A_383 = vector.broadcast %broadcast_in_dim3A_382 : f32 to vector<16xf32>
      %swap3A_384 = arith.constant 832 : index
      %swap3A_385 = tpu.vector_load %arg6[%swap3A_384] {strides = array<i32>} : memref<1024xf32, #tpu.memory_space<vmem>>, vector<16xf32>,
      %swap3A_386 = vector.shape_cast %swap3A_385 : vector<16xf32> to vector<16xf32>
      %swap3A_387 = vector.shape_cast %broadcast_in_dim3A_383 : vector<16xf32> to vector<16xf32>
      tpu.vector_store %arg6[%swap3A_384], %swap3A_387 {strides = array<i32>} : memref<1024xf32, #tpu.memory_space<vmem>>, vector<16xf32>,
      %broadcast_in_dim3A_388 = arith.constant 0.000000e+00 : f32
      %broadcast_in_dim3A_389 = vector.broadcast %broadcast_in_dim3A_388 : f32 to vector<16xf32>
      %swap3A_390 = arith.constant 848 : index
      %swap3A_391 = tpu.vector_load %arg6[%swap3A_390] {strides = array<i32>} : memref<1024xf32, #tpu.memory_space<vmem>>, vector<16xf32>,
      %swap3A_392 = vector.shape_cast %swap3A_391 : vector<16xf32> to vector<16xf32>
      %swap3A_393 = vector.shape_cast %broadcast_in_dim3A_389 : vector<16xf32> to vector<16xf32>
      tpu.vector_store %arg6[%swap3A_390], %swap3A_393 {strides = array<i32>} : memref<1024xf32, #tpu.memory_space<vmem>>, vector<16xf32>,
      %broadcast_in_dim3A_394 = arith.constant 0.000000e+00 : f32
      %broadcast_in_dim3A_395 = vector.broadcast %broadcast_in_dim3A_394 : f32 to vector<16xf32>
      %swap3A_396 = arith.constant 864 : index
      %swap3A_397 = tpu.vector_load %arg6[%swap3A_396] {strides = array<i32>} : memref<1024xf32, #tpu.memory_space<vmem>>, vector<16xf32>,
      %swap3A_398 = vector.shape_cast %swap3A_397 : vector<16xf32> to vector<16xf32>
      %swap3A_399 = vector.shape_cast %broadcast_in_dim3A_395 : vector<16xf32> to vector<16xf32>
      tpu.vector_store %arg6[%swap3A_396], %swap3A_399 {strides = array<i32>} : memref<1024xf32, #tpu.memory_space<vmem>>, vector<16xf32>,
      %broadcast_in_dim3A_400 = arith.constant 0.000000e+00 : f32
      %broadcast_in_dim3A_401 = vector.broadcast %broadcast_in_dim3A_400 : f32 to vector<16xf32>
      %swap3A_402 = arith.constant 880 : index
      %swap3A_403 = tpu.vector_load %arg6[%swap3A_402] {strides = array<i32>} : memref<1024xf32, #tpu.memory_space<vmem>>, vector<16xf32>,
      %swap3A_404 = vector.shape_cast %swap3A_403 : vector<16xf32> to vector<16xf32>
      %swap3A_405 = vector.shape_cast %broadcast_in_dim3A_401 : vector<16xf32> to vector<16xf32>
      tpu.vector_store %arg6[%swap3A_402], %swap3A_405 {strides = array<i32>} : memref<1024xf32, #tpu.memory_space<vmem>>, vector<16xf32>,
      %broadcast_in_dim3A_406 = arith.constant 0.000000e+00 : f32
      %broadcast_in_dim3A_407 = vector.broadcast %broadcast_in_dim3A_406 : f32 to vector<16xf32>
      %swap3A_408 = arith.constant 896 : index
      %swap3A_409 = tpu.vector_load %arg6[%swap3A_408] {strides = array<i32>} : memref<1024xf32, #tpu.memory_space<vmem>>, vector<16xf32>,
      %swap3A_410 = vector.shape_cast %swap3A_409 : vector<16xf32> to vector<16xf32>
      %swap3A_411 = vector.shape_cast %broadcast_in_dim3A_407 : vector<16xf32> to vector<16xf32>
      tpu.vector_store %arg6[%swap3A_408], %swap3A_411 {strides = array<i32>} : memref<1024xf32, #tpu.memory_space<vmem>>, vector<16xf32>,
      %broadcast_in_dim3A_412 = arith.constant 0.000000e+00 : f32
      %broadcast_in_dim3A_413 = vector.broadcast %broadcast_in_dim3A_412 : f32 to vector<16xf32>
      %swap3A_414 = arith.constant 912 : index
      %swap3A_415 = tpu.vector_load %arg6[%swap3A_414] {strides = array<i32>} : memref<1024xf32, #tpu.memory_space<vmem>>, vector<16xf32>,
      %swap3A_416 = vector.shape_cast %swap3A_415 : vector<16xf32> to vector<16xf32>
      %swap3A_417 = vector.shape_cast %broadcast_in_dim3A_413 : vector<16xf32> to vector<16xf32>
      tpu.vector_store %arg6[%swap3A_414], %swap3A_417 {strides = array<i32>} : memref<1024xf32, #tpu.memory_space<vmem>>, vector<16xf32>,
      %broadcast_in_dim3A_418 = arith.constant 0.000000e+00 : f32
      %broadcast_in_dim3A_419 = vector.broadcast %broadcast_in_dim3A_418 : f32 to vector<16xf32>
      %swap3A_420 = arith.constant 928 : index
      %swap3A_421 = tpu.vector_load %arg6[%swap3A_420] {strides = array<i32>} : memref<1024xf32, #tpu.memory_space<vmem>>, vector<16xf32>,
      %swap3A_422 = vector.shape_cast %swap3A_421 : vector<16xf32> to vector<16xf32>
      %swap3A_423 = vector.shape_cast %broadcast_in_dim3A_419 : vector<16xf32> to vector<16xf32>
      tpu.vector_store %arg6[%swap3A_420], %swap3A_423 {strides = array<i32>} : memref<1024xf32, #tpu.memory_space<vmem>>, vector<16xf32>,
      %broadcast_in_dim3A_424 = arith.constant 0.000000e+00 : f32
      %broadcast_in_dim3A_425 = vector.broadcast %broadcast_in_dim3A_424 : f32 to vector<16xf32>
      %swap3A_426 = arith.constant 944 : index
      %swap3A_427 = tpu.vector_load %arg6[%swap3A_426] {strides = array<i32>} : memref<1024xf32, #tpu.memory_space<vmem>>, vector<16xf32>,
      %swap3A_428 = vector.shape_cast %swap3A_427 : vector<16xf32> to vector<16xf32>
      %swap3A_429 = vector.shape_cast %broadcast_in_dim3A_425 : vector<16xf32> to vector<16xf32>
      tpu.vector_store %arg6[%swap3A_426], %swap3A_429 {strides = array<i32>} : memref<1024xf32, #tpu.memory_space<vmem>>, vector<16xf32>,
      %broadcast_in_dim3A_430 = arith.constant 0.000000e+00 : f32
      %broadcast_in_dim3A_431 = vector.broadcast %broadcast_in_dim3A_430 : f32 to vector<16xf32>
      %swap3A_432 = arith.constant 960 : index
      %swap3A_433 = tpu.vector_load %arg6[%swap3A_432] {strides = array<i32>} : memref<1024xf32, #tpu.memory_space<vmem>>, vector<16xf32>,
      %swap3A_434 = vector.shape_cast %swap3A_433 : vector<16xf32> to vector<16xf32>
      %swap3A_435 = vector.shape_cast %broadcast_in_dim3A_431 : vector<16xf32> to vector<16xf32>
      tpu.vector_store %arg6[%swap3A_432], %swap3A_435 {strides = array<i32>} : memref<1024xf32, #tpu.memory_space<vmem>>, vector<16xf32>,
      %broadcast_in_dim3A_436 = arith.constant 0.000000e+00 : f32
      %broadcast_in_dim3A_437 = vector.broadcast %broadcast_in_dim3A_436 : f32 to vector<16xf32>
      %swap3A_438 = arith.constant 976 : index
      %swap3A_439 = tpu.vector_load %arg6[%swap3A_438] {strides = array<i32>} : memref<1024xf32, #tpu.memory_space<vmem>>, vector<16xf32>,
      %swap3A_440 = vector.shape_cast %swap3A_439 : vector<16xf32> to vector<16xf32>
      %swap3A_441 = vector.shape_cast %broadcast_in_dim3A_437 : vector<16xf32> to vector<16xf32>
      tpu.vector_store %arg6[%swap3A_438], %swap3A_441 {strides = array<i32>} : memref<1024xf32, #tpu.memory_space<vmem>>, vector<16xf32>,
      %broadcast_in_dim3A_442 = arith.constant 0.000000e+00 : f32
      %broadcast_in_dim3A_443 = vector.broadcast %broadcast_in_dim3A_442 : f32 to vector<16xf32>
      %swap3A_444 = arith.constant 992 : index
      %swap3A_445 = tpu.vector_load %arg6[%swap3A_444] {strides = array<i32>} : memref<1024xf32, #tpu.memory_space<vmem>>, vector<16xf32>,
      %swap3A_446 = vector.shape_cast %swap3A_445 : vector<16xf32> to vector<16xf32>
      %swap3A_447 = vector.shape_cast %broadcast_in_dim3A_443 : vector<16xf32> to vector<16xf32>
      tpu.vector_store %arg6[%swap3A_444], %swap3A_447 {strides = array<i32>} : memref<1024xf32, #tpu.memory_space<vmem>>, vector<16xf32>,
      %broadcast_in_dim3A_448 = arith.constant 0.000000e+00 : f32
      %broadcast_in_dim3A_449 = vector.broadcast %broadcast_in_dim3A_448 : f32 to vector<16xf32>
      %swap3A_450 = arith.constant 1008 : index
      %swap3A_451 = tpu.vector_load %arg6[%swap3A_450] {strides = array<i32>} : memref<1024xf32, #tpu.memory_space<vmem>>, vector<16xf32>,
      %swap3A_452 = vector.shape_cast %swap3A_451 : vector<16xf32> to vector<16xf32>
      %swap3A_453 = vector.shape_cast %broadcast_in_dim3A_449 : vector<16xf32> to vector<16xf32>
      tpu.vector_store %arg6[%swap3A_450], %swap3A_453 {strides = array<i32>} : memref<1024xf32, #tpu.memory_space<vmem>>, vector<16xf32>,
      "tpu.region"() ({
        %run_scoped3A_454 = tpu.sem_alloc : memref<!tpu.dma_semaphore, #tpu.memory_space<semaphore_mem>>
        tpu.enqueue_dma source(%arg6 : memref<1024xf32, #tpu.memory_space<vmem>>) target(%arg7 : memref<1024xf32, #tpu.memory_space<vmem_shared>>) target_semaphore(%run_scoped3A_454 : memref<!tpu.dma_semaphore, #tpu.memory_space<semaphore_mem>>)
        tpu.wait_dma2 semaphore(%run_scoped3A_454 : memref<!tpu.dma_semaphore, #tpu.memory_space<semaphore_mem>>) src(%arg6 : memref<1024xf32, #tpu.memory_space<vmem>>) dst(%arg7 : memref<1024xf32, #tpu.memory_space<vmem_shared>>)
        tpu.yield
      }) : () -> ()
    } else {
    }
    %barrier3A = arith.constant 0 : index
    tpu.barrier barrier_id(%barrier3A)
    %run_scoped3A = arith.constant 0 : i32
    "tpu.region"() ({
      %run_scoped3A_70 = tpu.sem_alloc : memref<!tpu.dma_semaphore, #tpu.memory_space<semaphore_mem>>
      %dma_start3A = arith.constant 0 : i32
      %dma_start3A_71 = tpu.memref_slice %arg4[%run_scoped3A, %dma_start3A] : memref<16x128xi32, #tpu.memory_space<vmem>> -> memref<1x128xi32, #tpu.memory_space<vmem>>
      %dma_start3A_72 = tpu.memref_squeeze %dma_start3A_71 : memref<1x128xi32, #tpu.memory_space<vmem>> -> memref<128xi32, #tpu.memory_space<vmem>>
      %dma_start3A_73 = arith.constant 0 : i32
      %dma_start3A_74 = tpu.memref_slice %arg7[%dma_start3A_73] : memref<1024xf32, #tpu.memory_space<vmem_shared>> -> memref<1024xf32, #tpu.memory_space<vmem_shared>>
      tpu.enqueue_indirect_dma source(%arg5 : memref<128xf32, #tpu.memory_space<vmem>>) target(%dma_start3A_74 : memref<1024xf32, #tpu.memory_space<vmem_shared>>) offsets(%dma_start3A_72 : memref<128xi32, #tpu.memory_space<vmem>>) semaphore(%run_scoped3A_70 : memref<!tpu.dma_semaphore, #tpu.memory_space<semaphore_mem>>) {add = true}
      %dma_wait3A = arith.constant 0 : i32
      %dma_wait3A_75 = tpu.memref_slice %arg4[%run_scoped3A, %dma_wait3A] : memref<16x128xi32, #tpu.memory_space<vmem>> -> memref<1x128xi32, #tpu.memory_space<vmem>>
      %dma_wait3A_76 = tpu.memref_squeeze %dma_wait3A_75 : memref<1x128xi32, #tpu.memory_space<vmem>> -> memref<128xi32, #tpu.memory_space<vmem>>
      %dma_wait3A_77 = arith.constant 0 : i32
      %dma_wait3A_78 = tpu.memref_slice %arg7[%dma_wait3A_77] : memref<1024xf32, #tpu.memory_space<vmem_shared>> -> memref<1024xf32, #tpu.memory_space<vmem_shared>>
      tpu.wait_indirect_dma semaphore(%run_scoped3A_70 : memref<!tpu.dma_semaphore, #tpu.memory_space<semaphore_mem>>) src(%arg5 : memref<128xf32, #tpu.memory_space<vmem>>) dst(%dma_wait3A_78 : memref<1024xf32, #tpu.memory_space<vmem_shared>>)
      tpu.yield
    }) : () -> ()
    %run_scoped3A_49 = arith.constant 1 : i32
    "tpu.region"() ({
      %run_scoped3A_70 = tpu.sem_alloc : memref<!tpu.dma_semaphore, #tpu.memory_space<semaphore_mem>>
      %dma_start3A = arith.constant 0 : i32
      %dma_start3A_71 = tpu.memref_slice %arg4[%run_scoped3A_49, %dma_start3A] : memref<16x128xi32, #tpu.memory_space<vmem>> -> memref<1x128xi32, #tpu.memory_space<vmem>>
      %dma_start3A_72 = tpu.memref_squeeze %dma_start3A_71 : memref<1x128xi32, #tpu.memory_space<vmem>> -> memref<128xi32, #tpu.memory_space<vmem>>
      %dma_start3A_73 = arith.constant 0 : i32
      %dma_start3A_74 = tpu.memref_slice %arg7[%dma_start3A_73] : memref<1024xf32, #tpu.memory_space<vmem_shared>> -> memref<1024xf32, #tpu.memory_space<vmem_shared>>
      tpu.enqueue_indirect_dma source(%arg5 : memref<128xf32, #tpu.memory_space<vmem>>) target(%dma_start3A_74 : memref<1024xf32, #tpu.memory_space<vmem_shared>>) offsets(%dma_start3A_72 : memref<128xi32, #tpu.memory_space<vmem>>) semaphore(%run_scoped3A_70 : memref<!tpu.dma_semaphore, #tpu.memory_space<semaphore_mem>>) {add = true}
      %dma_wait3A = arith.constant 0 : i32
      %dma_wait3A_75 = tpu.memref_slice %arg4[%run_scoped3A_49, %dma_wait3A] : memref<16x128xi32, #tpu.memory_space<vmem>> -> memref<1x128xi32, #tpu.memory_space<vmem>>
      %dma_wait3A_76 = tpu.memref_squeeze %dma_wait3A_75 : memref<1x128xi32, #tpu.memory_space<vmem>> -> memref<128xi32, #tpu.memory_space<vmem>>
      %dma_wait3A_77 = arith.constant 0 : i32
      %dma_wait3A_78 = tpu.memref_slice %arg7[%dma_wait3A_77] : memref<1024xf32, #tpu.memory_space<vmem_shared>> -> memref<1024xf32, #tpu.memory_space<vmem_shared>>
      tpu.wait_indirect_dma semaphore(%run_scoped3A_70 : memref<!tpu.dma_semaphore, #tpu.memory_space<semaphore_mem>>) src(%arg5 : memref<128xf32, #tpu.memory_space<vmem>>) dst(%dma_wait3A_78 : memref<1024xf32, #tpu.memory_space<vmem_shared>>)
      tpu.yield
    }) : () -> ()
    %run_scoped3A_50 = arith.constant 2 : i32
    "tpu.region"() ({
      %run_scoped3A_70 = tpu.sem_alloc : memref<!tpu.dma_semaphore, #tpu.memory_space<semaphore_mem>>
      %dma_start3A = arith.constant 0 : i32
      %dma_start3A_71 = tpu.memref_slice %arg4[%run_scoped3A_50, %dma_start3A] : memref<16x128xi32, #tpu.memory_space<vmem>> -> memref<1x128xi32, #tpu.memory_space<vmem>>
      %dma_start3A_72 = tpu.memref_squeeze %dma_start3A_71 : memref<1x128xi32, #tpu.memory_space<vmem>> -> memref<128xi32, #tpu.memory_space<vmem>>
      %dma_start3A_73 = arith.constant 0 : i32
      %dma_start3A_74 = tpu.memref_slice %arg7[%dma_start3A_73] : memref<1024xf32, #tpu.memory_space<vmem_shared>> -> memref<1024xf32, #tpu.memory_space<vmem_shared>>
      tpu.enqueue_indirect_dma source(%arg5 : memref<128xf32, #tpu.memory_space<vmem>>) target(%dma_start3A_74 : memref<1024xf32, #tpu.memory_space<vmem_shared>>) offsets(%dma_start3A_72 : memref<128xi32, #tpu.memory_space<vmem>>) semaphore(%run_scoped3A_70 : memref<!tpu.dma_semaphore, #tpu.memory_space<semaphore_mem>>) {add = true}
      %dma_wait3A = arith.constant 0 : i32
      %dma_wait3A_75 = tpu.memref_slice %arg4[%run_scoped3A_50, %dma_wait3A] : memref<16x128xi32, #tpu.memory_space<vmem>> -> memref<1x128xi32, #tpu.memory_space<vmem>>
      %dma_wait3A_76 = tpu.memref_squeeze %dma_wait3A_75 : memref<1x128xi32, #tpu.memory_space<vmem>> -> memref<128xi32, #tpu.memory_space<vmem>>
      %dma_wait3A_77 = arith.constant 0 : i32
      %dma_wait3A_78 = tpu.memref_slice %arg7[%dma_wait3A_77] : memref<1024xf32, #tpu.memory_space<vmem_shared>> -> memref<1024xf32, #tpu.memory_space<vmem_shared>>
      tpu.wait_indirect_dma semaphore(%run_scoped3A_70 : memref<!tpu.dma_semaphore, #tpu.memory_space<semaphore_mem>>) src(%arg5 : memref<128xf32, #tpu.memory_space<vmem>>) dst(%dma_wait3A_78 : memref<1024xf32, #tpu.memory_space<vmem_shared>>)
      tpu.yield
    }) : () -> ()
    %run_scoped3A_51 = arith.constant 3 : i32
    "tpu.region"() ({
      %run_scoped3A_70 = tpu.sem_alloc : memref<!tpu.dma_semaphore, #tpu.memory_space<semaphore_mem>>
      %dma_start3A = arith.constant 0 : i32
      %dma_start3A_71 = tpu.memref_slice %arg4[%run_scoped3A_51, %dma_start3A] : memref<16x128xi32, #tpu.memory_space<vmem>> -> memref<1x128xi32, #tpu.memory_space<vmem>>
      %dma_start3A_72 = tpu.memref_squeeze %dma_start3A_71 : memref<1x128xi32, #tpu.memory_space<vmem>> -> memref<128xi32, #tpu.memory_space<vmem>>
      %dma_start3A_73 = arith.constant 0 : i32
      %dma_start3A_74 = tpu.memref_slice %arg7[%dma_start3A_73] : memref<1024xf32, #tpu.memory_space<vmem_shared>> -> memref<1024xf32, #tpu.memory_space<vmem_shared>>
      tpu.enqueue_indirect_dma source(%arg5 : memref<128xf32, #tpu.memory_space<vmem>>) target(%dma_start3A_74 : memref<1024xf32, #tpu.memory_space<vmem_shared>>) offsets(%dma_start3A_72 : memref<128xi32, #tpu.memory_space<vmem>>) semaphore(%run_scoped3A_70 : memref<!tpu.dma_semaphore, #tpu.memory_space<semaphore_mem>>) {add = true}
      %dma_wait3A = arith.constant 0 : i32
      %dma_wait3A_75 = tpu.memref_slice %arg4[%run_scoped3A_51, %dma_wait3A] : memref<16x128xi32, #tpu.memory_space<vmem>> -> memref<1x128xi32, #tpu.memory_space<vmem>>
      %dma_wait3A_76 = tpu.memref_squeeze %dma_wait3A_75 : memref<1x128xi32, #tpu.memory_space<vmem>> -> memref<128xi32, #tpu.memory_space<vmem>>
      %dma_wait3A_77 = arith.constant 0 : i32
      %dma_wait3A_78 = tpu.memref_slice %arg7[%dma_wait3A_77] : memref<1024xf32, #tpu.memory_space<vmem_shared>> -> memref<1024xf32, #tpu.memory_space<vmem_shared>>
      tpu.wait_indirect_dma semaphore(%run_scoped3A_70 : memref<!tpu.dma_semaphore, #tpu.memory_space<semaphore_mem>>) src(%arg5 : memref<128xf32, #tpu.memory_space<vmem>>) dst(%dma_wait3A_78 : memref<1024xf32, #tpu.memory_space<vmem_shared>>)
      tpu.yield
    }) : () -> ()
    %run_scoped3A_52 = arith.constant 4 : i32
    "tpu.region"() ({
      %run_scoped3A_70 = tpu.sem_alloc : memref<!tpu.dma_semaphore, #tpu.memory_space<semaphore_mem>>
      %dma_start3A = arith.constant 0 : i32
      %dma_start3A_71 = tpu.memref_slice %arg4[%run_scoped3A_52, %dma_start3A] : memref<16x128xi32, #tpu.memory_space<vmem>> -> memref<1x128xi32, #tpu.memory_space<vmem>>
      %dma_start3A_72 = tpu.memref_squeeze %dma_start3A_71 : memref<1x128xi32, #tpu.memory_space<vmem>> -> memref<128xi32, #tpu.memory_space<vmem>>
      %dma_start3A_73 = arith.constant 0 : i32
      %dma_start3A_74 = tpu.memref_slice %arg7[%dma_start3A_73] : memref<1024xf32, #tpu.memory_space<vmem_shared>> -> memref<1024xf32, #tpu.memory_space<vmem_shared>>
      tpu.enqueue_indirect_dma source(%arg5 : memref<128xf32, #tpu.memory_space<vmem>>) target(%dma_start3A_74 : memref<1024xf32, #tpu.memory_space<vmem_shared>>) offsets(%dma_start3A_72 : memref<128xi32, #tpu.memory_space<vmem>>) semaphore(%run_scoped3A_70 : memref<!tpu.dma_semaphore, #tpu.memory_space<semaphore_mem>>) {add = true}
      %dma_wait3A = arith.constant 0 : i32
      %dma_wait3A_75 = tpu.memref_slice %arg4[%run_scoped3A_52, %dma_wait3A] : memref<16x128xi32, #tpu.memory_space<vmem>> -> memref<1x128xi32, #tpu.memory_space<vmem>>
      %dma_wait3A_76 = tpu.memref_squeeze %dma_wait3A_75 : memref<1x128xi32, #tpu.memory_space<vmem>> -> memref<128xi32, #tpu.memory_space<vmem>>
      %dma_wait3A_77 = arith.constant 0 : i32
      %dma_wait3A_78 = tpu.memref_slice %arg7[%dma_wait3A_77] : memref<1024xf32, #tpu.memory_space<vmem_shared>> -> memref<1024xf32, #tpu.memory_space<vmem_shared>>
      tpu.wait_indirect_dma semaphore(%run_scoped3A_70 : memref<!tpu.dma_semaphore, #tpu.memory_space<semaphore_mem>>) src(%arg5 : memref<128xf32, #tpu.memory_space<vmem>>) dst(%dma_wait3A_78 : memref<1024xf32, #tpu.memory_space<vmem_shared>>)
      tpu.yield
    }) : () -> ()
    %run_scoped3A_53 = arith.constant 5 : i32
    "tpu.region"() ({
      %run_scoped3A_70 = tpu.sem_alloc : memref<!tpu.dma_semaphore, #tpu.memory_space<semaphore_mem>>
      %dma_start3A = arith.constant 0 : i32
      %dma_start3A_71 = tpu.memref_slice %arg4[%run_scoped3A_53, %dma_start3A] : memref<16x128xi32, #tpu.memory_space<vmem>> -> memref<1x128xi32, #tpu.memory_space<vmem>>
      %dma_start3A_72 = tpu.memref_squeeze %dma_start3A_71 : memref<1x128xi32, #tpu.memory_space<vmem>> -> memref<128xi32, #tpu.memory_space<vmem>>
      %dma_start3A_73 = arith.constant 0 : i32
      %dma_start3A_74 = tpu.memref_slice %arg7[%dma_start3A_73] : memref<1024xf32, #tpu.memory_space<vmem_shared>> -> memref<1024xf32, #tpu.memory_space<vmem_shared>>
      tpu.enqueue_indirect_dma source(%arg5 : memref<128xf32, #tpu.memory_space<vmem>>) target(%dma_start3A_74 : memref<1024xf32, #tpu.memory_space<vmem_shared>>) offsets(%dma_start3A_72 : memref<128xi32, #tpu.memory_space<vmem>>) semaphore(%run_scoped3A_70 : memref<!tpu.dma_semaphore, #tpu.memory_space<semaphore_mem>>) {add = true}
      %dma_wait3A = arith.constant 0 : i32
      %dma_wait3A_75 = tpu.memref_slice %arg4[%run_scoped3A_53, %dma_wait3A] : memref<16x128xi32, #tpu.memory_space<vmem>> -> memref<1x128xi32, #tpu.memory_space<vmem>>
      %dma_wait3A_76 = tpu.memref_squeeze %dma_wait3A_75 : memref<1x128xi32, #tpu.memory_space<vmem>> -> memref<128xi32, #tpu.memory_space<vmem>>
      %dma_wait3A_77 = arith.constant 0 : i32
      %dma_wait3A_78 = tpu.memref_slice %arg7[%dma_wait3A_77] : memref<1024xf32, #tpu.memory_space<vmem_shared>> -> memref<1024xf32, #tpu.memory_space<vmem_shared>>
      tpu.wait_indirect_dma semaphore(%run_scoped3A_70 : memref<!tpu.dma_semaphore, #tpu.memory_space<semaphore_mem>>) src(%arg5 : memref<128xf32, #tpu.memory_space<vmem>>) dst(%dma_wait3A_78 : memref<1024xf32, #tpu.memory_space<vmem_shared>>)
      tpu.yield
    }) : () -> ()
    %run_scoped3A_54 = arith.constant 6 : i32
    "tpu.region"() ({
      %run_scoped3A_70 = tpu.sem_alloc : memref<!tpu.dma_semaphore, #tpu.memory_space<semaphore_mem>>
      %dma_start3A = arith.constant 0 : i32
      %dma_start3A_71 = tpu.memref_slice %arg4[%run_scoped3A_54, %dma_start3A] : memref<16x128xi32, #tpu.memory_space<vmem>> -> memref<1x128xi32, #tpu.memory_space<vmem>>
      %dma_start3A_72 = tpu.memref_squeeze %dma_start3A_71 : memref<1x128xi32, #tpu.memory_space<vmem>> -> memref<128xi32, #tpu.memory_space<vmem>>
      %dma_start3A_73 = arith.constant 0 : i32
      %dma_start3A_74 = tpu.memref_slice %arg7[%dma_start3A_73] : memref<1024xf32, #tpu.memory_space<vmem_shared>> -> memref<1024xf32, #tpu.memory_space<vmem_shared>>
      tpu.enqueue_indirect_dma source(%arg5 : memref<128xf32, #tpu.memory_space<vmem>>) target(%dma_start3A_74 : memref<1024xf32, #tpu.memory_space<vmem_shared>>) offsets(%dma_start3A_72 : memref<128xi32, #tpu.memory_space<vmem>>) semaphore(%run_scoped3A_70 : memref<!tpu.dma_semaphore, #tpu.memory_space<semaphore_mem>>) {add = true}
      %dma_wait3A = arith.constant 0 : i32
      %dma_wait3A_75 = tpu.memref_slice %arg4[%run_scoped3A_54, %dma_wait3A] : memref<16x128xi32, #tpu.memory_space<vmem>> -> memref<1x128xi32, #tpu.memory_space<vmem>>
      %dma_wait3A_76 = tpu.memref_squeeze %dma_wait3A_75 : memref<1x128xi32, #tpu.memory_space<vmem>> -> memref<128xi32, #tpu.memory_space<vmem>>
      %dma_wait3A_77 = arith.constant 0 : i32
      %dma_wait3A_78 = tpu.memref_slice %arg7[%dma_wait3A_77] : memref<1024xf32, #tpu.memory_space<vmem_shared>> -> memref<1024xf32, #tpu.memory_space<vmem_shared>>
      tpu.wait_indirect_dma semaphore(%run_scoped3A_70 : memref<!tpu.dma_semaphore, #tpu.memory_space<semaphore_mem>>) src(%arg5 : memref<128xf32, #tpu.memory_space<vmem>>) dst(%dma_wait3A_78 : memref<1024xf32, #tpu.memory_space<vmem_shared>>)
      tpu.yield
    }) : () -> ()
    %run_scoped3A_55 = arith.constant 7 : i32
    "tpu.region"() ({
      %run_scoped3A_70 = tpu.sem_alloc : memref<!tpu.dma_semaphore, #tpu.memory_space<semaphore_mem>>
      %dma_start3A = arith.constant 0 : i32
      %dma_start3A_71 = tpu.memref_slice %arg4[%run_scoped3A_55, %dma_start3A] : memref<16x128xi32, #tpu.memory_space<vmem>> -> memref<1x128xi32, #tpu.memory_space<vmem>>
      %dma_start3A_72 = tpu.memref_squeeze %dma_start3A_71 : memref<1x128xi32, #tpu.memory_space<vmem>> -> memref<128xi32, #tpu.memory_space<vmem>>
      %dma_start3A_73 = arith.constant 0 : i32
      %dma_start3A_74 = tpu.memref_slice %arg7[%dma_start3A_73] : memref<1024xf32, #tpu.memory_space<vmem_shared>> -> memref<1024xf32, #tpu.memory_space<vmem_shared>>
      tpu.enqueue_indirect_dma source(%arg5 : memref<128xf32, #tpu.memory_space<vmem>>) target(%dma_start3A_74 : memref<1024xf32, #tpu.memory_space<vmem_shared>>) offsets(%dma_start3A_72 : memref<128xi32, #tpu.memory_space<vmem>>) semaphore(%run_scoped3A_70 : memref<!tpu.dma_semaphore, #tpu.memory_space<semaphore_mem>>) {add = true}
      %dma_wait3A = arith.constant 0 : i32
      %dma_wait3A_75 = tpu.memref_slice %arg4[%run_scoped3A_55, %dma_wait3A] : memref<16x128xi32, #tpu.memory_space<vmem>> -> memref<1x128xi32, #tpu.memory_space<vmem>>
      %dma_wait3A_76 = tpu.memref_squeeze %dma_wait3A_75 : memref<1x128xi32, #tpu.memory_space<vmem>> -> memref<128xi32, #tpu.memory_space<vmem>>
      %dma_wait3A_77 = arith.constant 0 : i32
      %dma_wait3A_78 = tpu.memref_slice %arg7[%dma_wait3A_77] : memref<1024xf32, #tpu.memory_space<vmem_shared>> -> memref<1024xf32, #tpu.memory_space<vmem_shared>>
      tpu.wait_indirect_dma semaphore(%run_scoped3A_70 : memref<!tpu.dma_semaphore, #tpu.memory_space<semaphore_mem>>) src(%arg5 : memref<128xf32, #tpu.memory_space<vmem>>) dst(%dma_wait3A_78 : memref<1024xf32, #tpu.memory_space<vmem_shared>>)
      tpu.yield
    }) : () -> ()
    %run_scoped3A_56 = arith.constant 8 : i32
    "tpu.region"() ({
      %run_scoped3A_70 = tpu.sem_alloc : memref<!tpu.dma_semaphore, #tpu.memory_space<semaphore_mem>>
      %dma_start3A = arith.constant 0 : i32
      %dma_start3A_71 = tpu.memref_slice %arg4[%run_scoped3A_56, %dma_start3A] : memref<16x128xi32, #tpu.memory_space<vmem>> -> memref<1x128xi32, #tpu.memory_space<vmem>>
      %dma_start3A_72 = tpu.memref_squeeze %dma_start3A_71 : memref<1x128xi32, #tpu.memory_space<vmem>> -> memref<128xi32, #tpu.memory_space<vmem>>
      %dma_start3A_73 = arith.constant 0 : i32
      %dma_start3A_74 = tpu.memref_slice %arg7[%dma_start3A_73] : memref<1024xf32, #tpu.memory_space<vmem_shared>> -> memref<1024xf32, #tpu.memory_space<vmem_shared>>
      tpu.enqueue_indirect_dma source(%arg5 : memref<128xf32, #tpu.memory_space<vmem>>) target(%dma_start3A_74 : memref<1024xf32, #tpu.memory_space<vmem_shared>>) offsets(%dma_start3A_72 : memref<128xi32, #tpu.memory_space<vmem>>) semaphore(%run_scoped3A_70 : memref<!tpu.dma_semaphore, #tpu.memory_space<semaphore_mem>>) {add = true}
      %dma_wait3A = arith.constant 0 : i32
      %dma_wait3A_75 = tpu.memref_slice %arg4[%run_scoped3A_56, %dma_wait3A] : memref<16x128xi32, #tpu.memory_space<vmem>> -> memref<1x128xi32, #tpu.memory_space<vmem>>
      %dma_wait3A_76 = tpu.memref_squeeze %dma_wait3A_75 : memref<1x128xi32, #tpu.memory_space<vmem>> -> memref<128xi32, #tpu.memory_space<vmem>>
      %dma_wait3A_77 = arith.constant 0 : i32
      %dma_wait3A_78 = tpu.memref_slice %arg7[%dma_wait3A_77] : memref<1024xf32, #tpu.memory_space<vmem_shared>> -> memref<1024xf32, #tpu.memory_space<vmem_shared>>
      tpu.wait_indirect_dma semaphore(%run_scoped3A_70 : memref<!tpu.dma_semaphore, #tpu.memory_space<semaphore_mem>>) src(%arg5 : memref<128xf32, #tpu.memory_space<vmem>>) dst(%dma_wait3A_78 : memref<1024xf32, #tpu.memory_space<vmem_shared>>)
      tpu.yield
    }) : () -> ()
    %run_scoped3A_57 = arith.constant 9 : i32
    "tpu.region"() ({
      %run_scoped3A_70 = tpu.sem_alloc : memref<!tpu.dma_semaphore, #tpu.memory_space<semaphore_mem>>
      %dma_start3A = arith.constant 0 : i32
      %dma_start3A_71 = tpu.memref_slice %arg4[%run_scoped3A_57, %dma_start3A] : memref<16x128xi32, #tpu.memory_space<vmem>> -> memref<1x128xi32, #tpu.memory_space<vmem>>
      %dma_start3A_72 = tpu.memref_squeeze %dma_start3A_71 : memref<1x128xi32, #tpu.memory_space<vmem>> -> memref<128xi32, #tpu.memory_space<vmem>>
      %dma_start3A_73 = arith.constant 0 : i32
      %dma_start3A_74 = tpu.memref_slice %arg7[%dma_start3A_73] : memref<1024xf32, #tpu.memory_space<vmem_shared>> -> memref<1024xf32, #tpu.memory_space<vmem_shared>>
      tpu.enqueue_indirect_dma source(%arg5 : memref<128xf32, #tpu.memory_space<vmem>>) target(%dma_start3A_74 : memref<1024xf32, #tpu.memory_space<vmem_shared>>) offsets(%dma_start3A_72 : memref<128xi32, #tpu.memory_space<vmem>>) semaphore(%run_scoped3A_70 : memref<!tpu.dma_semaphore, #tpu.memory_space<semaphore_mem>>) {add = true}
      %dma_wait3A = arith.constant 0 : i32
      %dma_wait3A_75 = tpu.memref_slice %arg4[%run_scoped3A_57, %dma_wait3A] : memref<16x128xi32, #tpu.memory_space<vmem>> -> memref<1x128xi32, #tpu.memory_space<vmem>>
      %dma_wait3A_76 = tpu.memref_squeeze %dma_wait3A_75 : memref<1x128xi32, #tpu.memory_space<vmem>> -> memref<128xi32, #tpu.memory_space<vmem>>
      %dma_wait3A_77 = arith.constant 0 : i32
      %dma_wait3A_78 = tpu.memref_slice %arg7[%dma_wait3A_77] : memref<1024xf32, #tpu.memory_space<vmem_shared>> -> memref<1024xf32, #tpu.memory_space<vmem_shared>>
      tpu.wait_indirect_dma semaphore(%run_scoped3A_70 : memref<!tpu.dma_semaphore, #tpu.memory_space<semaphore_mem>>) src(%arg5 : memref<128xf32, #tpu.memory_space<vmem>>) dst(%dma_wait3A_78 : memref<1024xf32, #tpu.memory_space<vmem_shared>>)
      tpu.yield
    }) : () -> ()
    %run_scoped3A_58 = arith.constant 10 : i32
    "tpu.region"() ({
      %run_scoped3A_70 = tpu.sem_alloc : memref<!tpu.dma_semaphore, #tpu.memory_space<semaphore_mem>>
      %dma_start3A = arith.constant 0 : i32
      %dma_start3A_71 = tpu.memref_slice %arg4[%run_scoped3A_58, %dma_start3A] : memref<16x128xi32, #tpu.memory_space<vmem>> -> memref<1x128xi32, #tpu.memory_space<vmem>>
      %dma_start3A_72 = tpu.memref_squeeze %dma_start3A_71 : memref<1x128xi32, #tpu.memory_space<vmem>> -> memref<128xi32, #tpu.memory_space<vmem>>
      %dma_start3A_73 = arith.constant 0 : i32
      %dma_start3A_74 = tpu.memref_slice %arg7[%dma_start3A_73] : memref<1024xf32, #tpu.memory_space<vmem_shared>> -> memref<1024xf32, #tpu.memory_space<vmem_shared>>
      tpu.enqueue_indirect_dma source(%arg5 : memref<128xf32, #tpu.memory_space<vmem>>) target(%dma_start3A_74 : memref<1024xf32, #tpu.memory_space<vmem_shared>>) offsets(%dma_start3A_72 : memref<128xi32, #tpu.memory_space<vmem>>) semaphore(%run_scoped3A_70 : memref<!tpu.dma_semaphore, #tpu.memory_space<semaphore_mem>>) {add = true}
      %dma_wait3A = arith.constant 0 : i32
      %dma_wait3A_75 = tpu.memref_slice %arg4[%run_scoped3A_58, %dma_wait3A] : memref<16x128xi32, #tpu.memory_space<vmem>> -> memref<1x128xi32, #tpu.memory_space<vmem>>
      %dma_wait3A_76 = tpu.memref_squeeze %dma_wait3A_75 : memref<1x128xi32, #tpu.memory_space<vmem>> -> memref<128xi32, #tpu.memory_space<vmem>>
      %dma_wait3A_77 = arith.constant 0 : i32
      %dma_wait3A_78 = tpu.memref_slice %arg7[%dma_wait3A_77] : memref<1024xf32, #tpu.memory_space<vmem_shared>> -> memref<1024xf32, #tpu.memory_space<vmem_shared>>
      tpu.wait_indirect_dma semaphore(%run_scoped3A_70 : memref<!tpu.dma_semaphore, #tpu.memory_space<semaphore_mem>>) src(%arg5 : memref<128xf32, #tpu.memory_space<vmem>>) dst(%dma_wait3A_78 : memref<1024xf32, #tpu.memory_space<vmem_shared>>)
      tpu.yield
    }) : () -> ()
    %run_scoped3A_59 = arith.constant 11 : i32
    "tpu.region"() ({
      %run_scoped3A_70 = tpu.sem_alloc : memref<!tpu.dma_semaphore, #tpu.memory_space<semaphore_mem>>
      %dma_start3A = arith.constant 0 : i32
      %dma_start3A_71 = tpu.memref_slice %arg4[%run_scoped3A_59, %dma_start3A] : memref<16x128xi32, #tpu.memory_space<vmem>> -> memref<1x128xi32, #tpu.memory_space<vmem>>
      %dma_start3A_72 = tpu.memref_squeeze %dma_start3A_71 : memref<1x128xi32, #tpu.memory_space<vmem>> -> memref<128xi32, #tpu.memory_space<vmem>>
      %dma_start3A_73 = arith.constant 0 : i32
      %dma_start3A_74 = tpu.memref_slice %arg7[%dma_start3A_73] : memref<1024xf32, #tpu.memory_space<vmem_shared>> -> memref<1024xf32, #tpu.memory_space<vmem_shared>>
      tpu.enqueue_indirect_dma source(%arg5 : memref<128xf32, #tpu.memory_space<vmem>>) target(%dma_start3A_74 : memref<1024xf32, #tpu.memory_space<vmem_shared>>) offsets(%dma_start3A_72 : memref<128xi32, #tpu.memory_space<vmem>>) semaphore(%run_scoped3A_70 : memref<!tpu.dma_semaphore, #tpu.memory_space<semaphore_mem>>) {add = true}
      %dma_wait3A = arith.constant 0 : i32
      %dma_wait3A_75 = tpu.memref_slice %arg4[%run_scoped3A_59, %dma_wait3A] : memref<16x128xi32, #tpu.memory_space<vmem>> -> memref<1x128xi32, #tpu.memory_space<vmem>>
      %dma_wait3A_76 = tpu.memref_squeeze %dma_wait3A_75 : memref<1x128xi32, #tpu.memory_space<vmem>> -> memref<128xi32, #tpu.memory_space<vmem>>
      %dma_wait3A_77 = arith.constant 0 : i32
      %dma_wait3A_78 = tpu.memref_slice %arg7[%dma_wait3A_77] : memref<1024xf32, #tpu.memory_space<vmem_shared>> -> memref<1024xf32, #tpu.memory_space<vmem_shared>>
      tpu.wait_indirect_dma semaphore(%run_scoped3A_70 : memref<!tpu.dma_semaphore, #tpu.memory_space<semaphore_mem>>) src(%arg5 : memref<128xf32, #tpu.memory_space<vmem>>) dst(%dma_wait3A_78 : memref<1024xf32, #tpu.memory_space<vmem_shared>>)
      tpu.yield
    }) : () -> ()
    %run_scoped3A_60 = arith.constant 12 : i32
    "tpu.region"() ({
      %run_scoped3A_70 = tpu.sem_alloc : memref<!tpu.dma_semaphore, #tpu.memory_space<semaphore_mem>>
      %dma_start3A = arith.constant 0 : i32
      %dma_start3A_71 = tpu.memref_slice %arg4[%run_scoped3A_60, %dma_start3A] : memref<16x128xi32, #tpu.memory_space<vmem>> -> memref<1x128xi32, #tpu.memory_space<vmem>>
      %dma_start3A_72 = tpu.memref_squeeze %dma_start3A_71 : memref<1x128xi32, #tpu.memory_space<vmem>> -> memref<128xi32, #tpu.memory_space<vmem>>
      %dma_start3A_73 = arith.constant 0 : i32
      %dma_start3A_74 = tpu.memref_slice %arg7[%dma_start3A_73] : memref<1024xf32, #tpu.memory_space<vmem_shared>> -> memref<1024xf32, #tpu.memory_space<vmem_shared>>
      tpu.enqueue_indirect_dma source(%arg5 : memref<128xf32, #tpu.memory_space<vmem>>) target(%dma_start3A_74 : memref<1024xf32, #tpu.memory_space<vmem_shared>>) offsets(%dma_start3A_72 : memref<128xi32, #tpu.memory_space<vmem>>) semaphore(%run_scoped3A_70 : memref<!tpu.dma_semaphore, #tpu.memory_space<semaphore_mem>>) {add = true}
      %dma_wait3A = arith.constant 0 : i32
      %dma_wait3A_75 = tpu.memref_slice %arg4[%run_scoped3A_60, %dma_wait3A] : memref<16x128xi32, #tpu.memory_space<vmem>> -> memref<1x128xi32, #tpu.memory_space<vmem>>
      %dma_wait3A_76 = tpu.memref_squeeze %dma_wait3A_75 : memref<1x128xi32, #tpu.memory_space<vmem>> -> memref<128xi32, #tpu.memory_space<vmem>>
      %dma_wait3A_77 = arith.constant 0 : i32
      %dma_wait3A_78 = tpu.memref_slice %arg7[%dma_wait3A_77] : memref<1024xf32, #tpu.memory_space<vmem_shared>> -> memref<1024xf32, #tpu.memory_space<vmem_shared>>
      tpu.wait_indirect_dma semaphore(%run_scoped3A_70 : memref<!tpu.dma_semaphore, #tpu.memory_space<semaphore_mem>>) src(%arg5 : memref<128xf32, #tpu.memory_space<vmem>>) dst(%dma_wait3A_78 : memref<1024xf32, #tpu.memory_space<vmem_shared>>)
      tpu.yield
    }) : () -> ()
    %run_scoped3A_61 = arith.constant 13 : i32
    "tpu.region"() ({
      %run_scoped3A_70 = tpu.sem_alloc : memref<!tpu.dma_semaphore, #tpu.memory_space<semaphore_mem>>
      %dma_start3A = arith.constant 0 : i32
      %dma_start3A_71 = tpu.memref_slice %arg4[%run_scoped3A_61, %dma_start3A] : memref<16x128xi32, #tpu.memory_space<vmem>> -> memref<1x128xi32, #tpu.memory_space<vmem>>
      %dma_start3A_72 = tpu.memref_squeeze %dma_start3A_71 : memref<1x128xi32, #tpu.memory_space<vmem>> -> memref<128xi32, #tpu.memory_space<vmem>>
      %dma_start3A_73 = arith.constant 0 : i32
      %dma_start3A_74 = tpu.memref_slice %arg7[%dma_start3A_73] : memref<1024xf32, #tpu.memory_space<vmem_shared>> -> memref<1024xf32, #tpu.memory_space<vmem_shared>>
      tpu.enqueue_indirect_dma source(%arg5 : memref<128xf32, #tpu.memory_space<vmem>>) target(%dma_start3A_74 : memref<1024xf32, #tpu.memory_space<vmem_shared>>) offsets(%dma_start3A_72 : memref<128xi32, #tpu.memory_space<vmem>>) semaphore(%run_scoped3A_70 : memref<!tpu.dma_semaphore, #tpu.memory_space<semaphore_mem>>) {add = true}
      %dma_wait3A = arith.constant 0 : i32
      %dma_wait3A_75 = tpu.memref_slice %arg4[%run_scoped3A_61, %dma_wait3A] : memref<16x128xi32, #tpu.memory_space<vmem>> -> memref<1x128xi32, #tpu.memory_space<vmem>>
      %dma_wait3A_76 = tpu.memref_squeeze %dma_wait3A_75 : memref<1x128xi32, #tpu.memory_space<vmem>> -> memref<128xi32, #tpu.memory_space<vmem>>
      %dma_wait3A_77 = arith.constant 0 : i32
      %dma_wait3A_78 = tpu.memref_slice %arg7[%dma_wait3A_77] : memref<1024xf32, #tpu.memory_space<vmem_shared>> -> memref<1024xf32, #tpu.memory_space<vmem_shared>>
      tpu.wait_indirect_dma semaphore(%run_scoped3A_70 : memref<!tpu.dma_semaphore, #tpu.memory_space<semaphore_mem>>) src(%arg5 : memref<128xf32, #tpu.memory_space<vmem>>) dst(%dma_wait3A_78 : memref<1024xf32, #tpu.memory_space<vmem_shared>>)
      tpu.yield
    }) : () -> ()
    %run_scoped3A_62 = arith.constant 14 : i32
    "tpu.region"() ({
      %run_scoped3A_70 = tpu.sem_alloc : memref<!tpu.dma_semaphore, #tpu.memory_space<semaphore_mem>>
      %dma_start3A = arith.constant 0 : i32
      %dma_start3A_71 = tpu.memref_slice %arg4[%run_scoped3A_62, %dma_start3A] : memref<16x128xi32, #tpu.memory_space<vmem>> -> memref<1x128xi32, #tpu.memory_space<vmem>>
      %dma_start3A_72 = tpu.memref_squeeze %dma_start3A_71 : memref<1x128xi32, #tpu.memory_space<vmem>> -> memref<128xi32, #tpu.memory_space<vmem>>
      %dma_start3A_73 = arith.constant 0 : i32
      %dma_start3A_74 = tpu.memref_slice %arg7[%dma_start3A_73] : memref<1024xf32, #tpu.memory_space<vmem_shared>> -> memref<1024xf32, #tpu.memory_space<vmem_shared>>
      tpu.enqueue_indirect_dma source(%arg5 : memref<128xf32, #tpu.memory_space<vmem>>) target(%dma_start3A_74 : memref<1024xf32, #tpu.memory_space<vmem_shared>>) offsets(%dma_start3A_72 : memref<128xi32, #tpu.memory_space<vmem>>) semaphore(%run_scoped3A_70 : memref<!tpu.dma_semaphore, #tpu.memory_space<semaphore_mem>>) {add = true}
      %dma_wait3A = arith.constant 0 : i32
      %dma_wait3A_75 = tpu.memref_slice %arg4[%run_scoped3A_62, %dma_wait3A] : memref<16x128xi32, #tpu.memory_space<vmem>> -> memref<1x128xi32, #tpu.memory_space<vmem>>
      %dma_wait3A_76 = tpu.memref_squeeze %dma_wait3A_75 : memref<1x128xi32, #tpu.memory_space<vmem>> -> memref<128xi32, #tpu.memory_space<vmem>>
      %dma_wait3A_77 = arith.constant 0 : i32
      %dma_wait3A_78 = tpu.memref_slice %arg7[%dma_wait3A_77] : memref<1024xf32, #tpu.memory_space<vmem_shared>> -> memref<1024xf32, #tpu.memory_space<vmem_shared>>
      tpu.wait_indirect_dma semaphore(%run_scoped3A_70 : memref<!tpu.dma_semaphore, #tpu.memory_space<semaphore_mem>>) src(%arg5 : memref<128xf32, #tpu.memory_space<vmem>>) dst(%dma_wait3A_78 : memref<1024xf32, #tpu.memory_space<vmem_shared>>)
      tpu.yield
    }) : () -> ()
    %run_scoped3A_63 = arith.constant 15 : i32
    "tpu.region"() ({
      %run_scoped3A_70 = tpu.sem_alloc : memref<!tpu.dma_semaphore, #tpu.memory_space<semaphore_mem>>
      %dma_start3A = arith.constant 0 : i32
      %dma_start3A_71 = tpu.memref_slice %arg4[%run_scoped3A_63, %dma_start3A] : memref<16x128xi32, #tpu.memory_space<vmem>> -> memref<1x128xi32, #tpu.memory_space<vmem>>
      %dma_start3A_72 = tpu.memref_squeeze %dma_start3A_71 : memref<1x128xi32, #tpu.memory_space<vmem>> -> memref<128xi32, #tpu.memory_space<vmem>>
      %dma_start3A_73 = arith.constant 0 : i32
      %dma_start3A_74 = tpu.memref_slice %arg7[%dma_start3A_73] : memref<1024xf32, #tpu.memory_space<vmem_shared>> -> memref<1024xf32, #tpu.memory_space<vmem_shared>>
      tpu.enqueue_indirect_dma source(%arg5 : memref<128xf32, #tpu.memory_space<vmem>>) target(%dma_start3A_74 : memref<1024xf32, #tpu.memory_space<vmem_shared>>) offsets(%dma_start3A_72 : memref<128xi32, #tpu.memory_space<vmem>>) semaphore(%run_scoped3A_70 : memref<!tpu.dma_semaphore, #tpu.memory_space<semaphore_mem>>) {add = true}
      %dma_wait3A = arith.constant 0 : i32
      %dma_wait3A_75 = tpu.memref_slice %arg4[%run_scoped3A_63, %dma_wait3A] : memref<16x128xi32, #tpu.memory_space<vmem>> -> memref<1x128xi32, #tpu.memory_space<vmem>>
      %dma_wait3A_76 = tpu.memref_squeeze %dma_wait3A_75 : memref<1x128xi32, #tpu.memory_space<vmem>> -> memref<128xi32, #tpu.memory_space<vmem>>
      %dma_wait3A_77 = arith.constant 0 : i32
      %dma_wait3A_78 = tpu.memref_slice %arg7[%dma_wait3A_77] : memref<1024xf32, #tpu.memory_space<vmem_shared>> -> memref<1024xf32, #tpu.memory_space<vmem_shared>>
      tpu.wait_indirect_dma semaphore(%run_scoped3A_70 : memref<!tpu.dma_semaphore, #tpu.memory_space<semaphore_mem>>) src(%arg5 : memref<128xf32, #tpu.memory_space<vmem>>) dst(%dma_wait3A_78 : memref<1024xf32, #tpu.memory_space<vmem_shared>>)
      tpu.yield
    }) : () -> ()
    %barrier3A_64 = arith.constant 0 : index
    tpu.barrier barrier_id(%barrier3A_64)
    %eq3A_65 = arith.constant 0 : i32
    %eq3A_66 = arith.cmpi eq, %arg1, %eq3A_65 : i32
    %convert_element_type3A_67 = arith.extui %eq3A_66 : i1 to i32
    %cond3A_68 = arith.constant 0 : i32
    %cond3A_69 = arith.cmpi ne, %convert_element_type3A_67, %cond3A_68 : i32
    scf.if %cond3A_69 {
      "tpu.region"() ({
        %run_scoped3A_70 = tpu.sem_alloc : memref<!tpu.dma_semaphore, #tpu.memory_space<semaphore_mem>>
        %dma_start3A = arith.constant 0 : i32
        %dma_start3A_71 = tpu.memref_slice %arg3[%arg0, %dma_start3A] : memref<2x1024xf32, #tpu.memory_space<hbm>> -> memref<1x1024xf32, #tpu.memory_space<hbm>>
        %dma_start3A_72 = tpu.memref_squeeze %dma_start3A_71 : memref<1x1024xf32, #tpu.memory_space<hbm>> -> memref<1024xf32, #tpu.memory_space<hbm>>
        tpu.enqueue_dma source(%arg7 : memref<1024xf32, #tpu.memory_space<vmem_shared>>) target(%dma_start3A_72 : memref<1024xf32, #tpu.memory_space<hbm>>) target_semaphore(%run_scoped3A_70 : memref<!tpu.dma_semaphore, #tpu.memory_space<semaphore_mem>>)
        %dma_wait3A = arith.constant 0 : i32
        %dma_wait3A_73 = tpu.memref_slice %arg3[%arg0, %dma_wait3A] : memref<2x1024xf32, #tpu.memory_space<hbm>> -> memref<1x1024xf32, #tpu.memory_space<hbm>>
        %dma_wait3A_74 = tpu.memref_squeeze %dma_wait3A_73 : memref<1x1024xf32, #tpu.memory_space<hbm>> -> memref<1024xf32, #tpu.memory_space<hbm>>
        tpu.wait_dma2 semaphore(%run_scoped3A_70 : memref<!tpu.dma_semaphore, #tpu.memory_space<semaphore_mem>>) src(%arg7 : memref<1024xf32, #tpu.memory_space<vmem_shared>>) dst(%dma_wait3A_74 : memref<1024xf32, #tpu.memory_space<hbm>>)
        tpu.yield
      }) : () -> ()
    } else {
    }
    return
  }
}

module attributes {stable_mosaic.version = 14 : i64} {
  func.func @_vq_body(%arg0: i32, %arg1: memref<64x8192xf32, #tpu.memory_space<vmem>>, %arg2: memref<1024x64xf32, #tpu.memory_space<vmem>>, %arg3: memref<1024x64xf32, #tpu.memory_space<vmem>>, %arg4: memref<1x8192xf32, #tpu.memory_space<vmem>>, %arg5: memref<1024x1xf32, #tpu.memory_space<vmem>>, %arg6: memref<1024x1xf32, #tpu.memory_space<vmem>>, %arg7: memref<1x1x8192xi32, #tpu.memory_space<vmem>>, %arg8: memref<1x1x8192xf32, #tpu.memory_space<vmem>>, %arg9: memref<32x8192xf32, #tpu.memory_space<vmem>>, %arg10: memref<32x8192xf32, #tpu.memory_space<vmem>>) attributes {dimension_semantics = [#tpu.dimension_semantics<arbitrary>], iteration_bounds = array<i64: 8>, scalar_prefetch = 0 : i64, scratch_operands = 0 : i64, tpu.core_type = #tpu.core_type<tc>, window_params = [{transform_indices = @transform_0, window_bounds = array<i64: 64, 8192>}, {pipeline_mode = #tpu.pipeline_mode<synchronous>, transform_indices = @transform_1, window_bounds = array<i64: 1024, 64>}, {pipeline_mode = #tpu.pipeline_mode<synchronous>, transform_indices = @transform_2, window_bounds = array<i64: 1024, 64>}, {transform_indices = @transform_3, window_bounds = array<i64: 1, 8192>}, {pipeline_mode = #tpu.pipeline_mode<synchronous>, transform_indices = @transform_4, window_bounds = array<i64: 1024, 1>}, {pipeline_mode = #tpu.pipeline_mode<synchronous>, transform_indices = @transform_5, window_bounds = array<i64: 1024, 1>}, {transform_indices = @transform_6, window_bounds = array<i64: 1, 1, 8192>}, {transform_indices = @transform_7, window_bounds = array<i64: 1, 1, 8192>}, {transform_indices = @transform_8, window_bounds = array<i64: 32, 8192>}, {transform_indices = @transform_9, window_bounds = array<i64: 32, 8192>}]} {
    %get3A = arith.constant 0 : index
    %get3A_0 = arith.constant 0 : index
    %get3A_1 = vector.load %arg1[%get3A, %get3A_0] : memref<64x8192xf32, #tpu.memory_space<vmem>>, vector<64x8192xf32>
    %get3A_2 = arith.constant 0 : index
    %get3A_3 = arith.constant 0 : index
    %get3A_4 = vector.load %arg2[%get3A_2, %get3A_3] : memref<1024x64xf32, #tpu.memory_space<vmem>>, vector<1024x64xf32>
    %get3A_5 = arith.constant 0 : index
    %get3A_6 = arith.constant 0 : index
    %get3A_7 = vector.load %arg3[%get3A_5, %get3A_6] : memref<1024x64xf32, #tpu.memory_space<vmem>>, vector<1024x64xf32>
    %dot_general3A = arith.constant dense<0.000000e+00> : vector<1024x8192xf32>
    %dot_general3A_8 = tpu.matmul %get3A_7, %get3A_1, %dot_general3A {dimension_numbers = #tpu.dot_dimension_numbers<[1], [0], [0], [1], [0, 0, 1, 1], [], []>, transpose_lhs_hint = false} : vector<1024x64xf32>, vector<64x8192xf32>, vector<1024x8192xf32> -> vector<1024x8192xf32>
    %get3A_9 = arith.constant 0 : index
    %get3A_10 = arith.constant 0 : index
    %get3A_11 = vector.load %arg4[%get3A_9, %get3A_10] : memref<1x8192xf32, #tpu.memory_space<vmem>>, vector<1x8192xf32>
    %get3A_12 = arith.constant 0 : index
    %get3A_13 = arith.constant 0 : index
    %get3A_14 = vector.load %arg5[%get3A_12, %get3A_13] : memref<1024x1xf32, #tpu.memory_space<vmem>>, vector<1024x1xf32>
    %add3A = vector.broadcast %get3A_11 : vector<1x8192xf32> to vector<1024x8192xf32>
    %add3A_15 = vector.broadcast %get3A_14 : vector<1024x1xf32> to vector<1024x8192xf32>
    %add3A_16 = arith.addf %add3A, %add3A_15 : vector<1024x8192xf32>
    %add3A_17 = arith.addf %add3A_16, %dot_general3A_8 : vector<1024x8192xf32>
    %reduce_min3A = arith.constant dense<0x7F800000> : vector<8192xf32>
    %reduce_min3A_18 = vector.multi_reduction <minimumf>, %add3A_17, %reduce_min3A [0] : vector<1024x8192xf32> to vector<8192xf32>
    %broadcast_in_dim3A = vector.shape_cast %reduce_min3A_18 : vector<8192xf32> to vector<1x8192xf32>
    %get3A_19 = arith.constant 0 : index
    %get3A_20 = arith.constant 0 : index
    %get3A_21 = vector.load %arg6[%get3A_19, %get3A_20] : memref<1024x1xf32, #tpu.memory_space<vmem>>, vector<1024x1xf32>
    %eq3A = vector.broadcast %broadcast_in_dim3A : vector<1x8192xf32> to vector<1024x8192xf32>
    %eq3A_22 = arith.cmpf oeq, %add3A_17, %eq3A : vector<1024x8192xf32>
    %jit3A = arith.constant 1.024000e+03 : f32
    %broadcast_in_dim3A_23 = vector.shape_cast %get3A_21 : vector<1024x1xf32> to vector<1024x1xf32>
    %broadcast_in_dim3A_24 = vector.broadcast %broadcast_in_dim3A_23 : vector<1024x1xf32> to vector<1024x8192xf32>
    %broadcast_in_dim3A_25 = vector.broadcast %jit3A : f32 to vector<1024x8192xf32>
    %select_n3A = arith.select %eq3A_22, %broadcast_in_dim3A_24, %broadcast_in_dim3A_25 : vector<1024x8192xi1>, vector<1024x8192xf32>
    %reduce_min3A_26 = arith.constant dense<0x7F800000> : vector<8192xf32>
    %reduce_min3A_27 = vector.multi_reduction <minimumf>, %select_n3A, %reduce_min3A_26 [0] : vector<1024x8192xf32> to vector<8192xf32>
    %broadcast_in_dim3A_28 = vector.shape_cast %reduce_min3A_27 : vector<8192xf32> to vector<1x8192xf32>
    %eq3A_29 = vector.broadcast %get3A_21 : vector<1024x1xf32> to vector<1024x8192xf32>
    %eq3A_30 = vector.broadcast %broadcast_in_dim3A_28 : vector<1x8192xf32> to vector<1024x8192xf32>
    %eq3A_31 = arith.cmpf oeq, %eq3A_29, %eq3A_30 : vector<1024x8192xf32>
    %convert_element_type3A = arith.extui %eq3A_31 : vector<1024x8192xi1> to vector<1024x8192xi32>
    %convert_element_type3A_32 = arith.sitofp %convert_element_type3A : vector<1024x8192xi32> to vector<1024x8192xf32>
    %dot_general3A_33 = arith.constant dense<0.000000e+00> : vector<64x8192xf32>
    %dot_general3A_34 = tpu.matmul %get3A_4, %convert_element_type3A_32, %dot_general3A_33 {dimension_numbers = #tpu.dot_dimension_numbers<[0], [0], [1], [1], [0, 1, 1, 1], [], []>, transpose_lhs_hint = false} : vector<1024x64xf32>, vector<1024x8192xf32>, vector<64x8192xf32> -> vector<64x8192xf32>
    %convert_element_type3A_35 = arith.fptosi %reduce_min3A_27 : vector<8192xf32> to vector<8192xi32>
    %swap3A = arith.constant 0 : index
    %swap3A_36 = arith.constant 0 : index
    %swap3A_37 = arith.constant 0 : index
    %swap3A_38 = vector.load %arg7[%swap3A, %swap3A_36, %swap3A_37] : memref<1x1x8192xi32, #tpu.memory_space<vmem>>, vector<1x1x8192xi32>
    %swap3A_39 = vector.shape_cast %swap3A_38 : vector<1x1x8192xi32> to vector<8192xi32>
    %swap3A_40 = vector.shape_cast %convert_element_type3A_35 : vector<8192xi32> to vector<1x1x8192xi32>
    tpu.vector_store %arg7[%swap3A, %swap3A_36, %swap3A_37], %swap3A_40 {strides = array<i32>} : memref<1x1x8192xi32, #tpu.memory_space<vmem>>, vector<1x1x8192xi32>,
    %squeeze3A = vector.shape_cast %broadcast_in_dim3A : vector<1x8192xf32> to vector<8192xf32>
    %mul3A = arith.constant 3.906250e-03 : f32
    %mul3A_41 = vector.broadcast %mul3A : f32 to vector<8192xf32>
    %mul3A_42 = arith.mulf %squeeze3A, %mul3A_41 : vector<8192xf32>
    %swap3A_43 = arith.constant 0 : index
    %swap3A_44 = arith.constant 0 : index
    %swap3A_45 = arith.constant 0 : index
    %swap3A_46 = vector.load %arg8[%swap3A_43, %swap3A_44, %swap3A_45] : memref<1x1x8192xf32, #tpu.memory_space<vmem>>, vector<1x1x8192xf32>
    %swap3A_47 = vector.shape_cast %swap3A_46 : vector<1x1x8192xf32> to vector<8192xf32>
    %swap3A_48 = vector.shape_cast %mul3A_42 : vector<8192xf32> to vector<1x1x8192xf32>
    tpu.vector_store %arg8[%swap3A_43, %swap3A_44, %swap3A_45], %swap3A_48 {strides = array<i32>} : memref<1x1x8192xf32, #tpu.memory_space<vmem>>, vector<1x1x8192xf32>,
    %slice3A = vector.extract_strided_slice %dot_general3A_34 {offsets = [0, 0], sizes = [32, 8192], strides = [1, 1]} : vector<64x8192xf32> to vector<32x8192xf32>
    %swap3A_49 = arith.constant 0 : index
    %swap3A_50 = arith.constant 0 : index
    %swap3A_51 = vector.load %arg9[%swap3A_49, %swap3A_50] : memref<32x8192xf32, #tpu.memory_space<vmem>>, vector<32x8192xf32>
    tpu.vector_store %arg9[%swap3A_49, %swap3A_50], %slice3A {strides = array<i32>} : memref<32x8192xf32, #tpu.memory_space<vmem>>, vector<32x8192xf32>,
    %slice3A_52 = vector.extract_strided_slice %dot_general3A_34 {offsets = [32, 0], sizes = [32, 8192], strides = [1, 1]} : vector<64x8192xf32> to vector<32x8192xf32>
    %swap3A_53 = arith.constant 0 : index
    %swap3A_54 = arith.constant 0 : index
    %swap3A_55 = vector.load %arg10[%swap3A_53, %swap3A_54] : memref<32x8192xf32, #tpu.memory_space<vmem>>, vector<32x8192xf32>
    tpu.vector_store %arg10[%swap3A_53, %swap3A_54], %slice3A_52 {strides = array<i32>} : memref<32x8192xf32, #tpu.memory_space<vmem>>, vector<32x8192xf32>,
    return
  }
  func.func @transform_0(%arg0: i32) -> (i32, i32) {
    %c0_i32 = arith.constant 0 : i32
    %c0_i32_0 = arith.constant 0 : i32
    return %c0_i32, %arg0 : i32, i32
  }
  func.func @transform_1(%arg0: i32) -> (i32, i32) {
    %c0_i32 = arith.constant 0 : i32
    %c0_i32_0 = arith.constant 0 : i32
    %c0_i32_1 = arith.constant 0 : i32
    return %c0_i32, %c0_i32_0 : i32, i32
  }
  func.func @transform_2(%arg0: i32) -> (i32, i32) {
    %c0_i32 = arith.constant 0 : i32
    %c0_i32_0 = arith.constant 0 : i32
    %c0_i32_1 = arith.constant 0 : i32
    return %c0_i32, %c0_i32_0 : i32, i32
  }
  func.func @transform_3(%arg0: i32) -> (i32, i32) {
    %c0_i32 = arith.constant 0 : i32
    %c0_i32_0 = arith.constant 0 : i32
    return %c0_i32, %arg0 : i32, i32
  }
  func.func @transform_4(%arg0: i32) -> (i32, i32) {
    %c0_i32 = arith.constant 0 : i32
    %c0_i32_0 = arith.constant 0 : i32
    %c0_i32_1 = arith.constant 0 : i32
    return %c0_i32, %c0_i32_0 : i32, i32
  }
  func.func @transform_5(%arg0: i32) -> (i32, i32) {
    %c0_i32 = arith.constant 0 : i32
    %c0_i32_0 = arith.constant 0 : i32
    %c0_i32_1 = arith.constant 0 : i32
    return %c0_i32, %c0_i32_0 : i32, i32
  }
  func.func @transform_6(%arg0: i32) -> (i32, i32, i32) {
    %c0_i32 = arith.constant 0 : i32
    %c0_i32_0 = arith.constant 0 : i32
    %c0_i32_1 = arith.constant 0 : i32
    return %arg0, %c0_i32, %c0_i32_0 : i32, i32, i32
  }
  func.func @transform_7(%arg0: i32) -> (i32, i32, i32) {
    %c0_i32 = arith.constant 0 : i32
    %c0_i32_0 = arith.constant 0 : i32
    %c0_i32_1 = arith.constant 0 : i32
    return %arg0, %c0_i32, %c0_i32_0 : i32, i32, i32
  }
  func.func @transform_8(%arg0: i32) -> (i32, i32) {
    %c0_i32 = arith.constant 0 : i32
    %c0_i32_0 = arith.constant 0 : i32
    return %c0_i32, %arg0 : i32, i32
  }
  func.func @transform_9(%arg0: i32) -> (i32, i32) {
    %c0_i32 = arith.constant 0 : i32
    %c0_i32_0 = arith.constant 0 : i32
    return %c0_i32, %arg0 : i32, i32
  }
}

module attributes {stable_mosaic.version = 14 : i64} {
  func.func @_entropy_body(%arg0: memref<2x1024xf32, #tpu.memory_space<vmem>>, %arg1: memref<1x1xf32, #tpu.memory_space<vmem>>) attributes {dimension_semantics = [], scalar_prefetch = 0 : i64, scratch_operands = 0 : i64, tpu.core_type = #tpu.core_type<tc>} {
    %get3A = arith.constant 0 : index
    %get3A_0 = arith.constant 0 : index
    %get3A_1 = vector.load %arg0[%get3A, %get3A_0] : memref<2x1024xf32, #tpu.memory_space<vmem>>, vector<1x1024xf32>
    %get3A_2 = arith.constant 1 : index
    %get3A_3 = arith.constant 0 : index
    %get3A_4 = vector.load %arg0[%get3A_2, %get3A_3] : memref<2x1024xf32, #tpu.memory_space<vmem>>, vector<1x1024xf32>
    %add3A = arith.addf %get3A_1, %get3A_4 : vector<1x1024xf32>
    %mul3A = arith.constant 1.52587891E-5 : f32
    %mul3A_5 = vector.broadcast %mul3A : f32 to vector<1x1024xf32>
    %mul3A_6 = arith.mulf %add3A, %mul3A_5 : vector<1x1024xf32>
    %add3A_7 = arith.constant 1.000000e-10 : f32
    %add3A_8 = vector.broadcast %add3A_7 : f32 to vector<1x1024xf32>
    %add3A_9 = arith.addf %mul3A_6, %add3A_8 : vector<1x1024xf32>
    %log3A = math.log %add3A_9 : vector<1x1024xf32>
    %mul3A_10 = arith.mulf %mul3A_6, %log3A : vector<1x1024xf32>
    %reduce_sum3A = vector.shape_cast %mul3A_10 : vector<1x1024xf32> to vector<1x1x1024xf32>
    %reduce_sum3A_11 = arith.constant dense<0.000000e+00> : vector<1xf32>
    %reduce_sum3A_12 = vector.multi_reduction <add>, %reduce_sum3A, %reduce_sum3A_11 [1, 2] : vector<1x1x1024xf32> to vector<1xf32>
    %reduce_sum3A_13 = vector.shape_cast %reduce_sum3A_12 : vector<1xf32> to vector<1x1x1xf32>
    %reduce_sum3A_14 = vector.extract %reduce_sum3A_13[0, 0, 0] : f32 from vector<1x1x1xf32>
    %broadcast_in_dim3A = vector.broadcast %reduce_sum3A_14 : f32 to vector<1x1xf32>
    %neg3A = arith.constant 0.000000e+00 : f32
    %neg3A_15 = vector.broadcast %neg3A : f32 to vector<1x1xf32>
    %neg3A_16 = arith.subf %neg3A_15, %broadcast_in_dim3A : vector<1x1xf32>
    %div3A = arith.constant 6.93147182 : f32
    %div3A_17 = vector.broadcast %div3A : f32 to vector<1x1xf32>
    %div3A_18 = arith.divf %neg3A_16, %div3A_17 : vector<1x1xf32>
    %swap3A = arith.constant 0 : index
    %swap3A_19 = arith.constant 0 : index
    %swap3A_20 = vector.load %arg1[%swap3A, %swap3A_19] : memref<1x1xf32, #tpu.memory_space<vmem>>, vector<1x1xf32>
    tpu.vector_store %arg1[%swap3A, %swap3A_19], %div3A_18 {strides = array<i32>} : memref<1x1xf32, #tpu.memory_space<vmem>>, vector<1x1xf32>,
    return
  }
}

</mosaic_0001>

<sc_bundles>
// kernel: kernel.5.cloned.1.call-start
scs
__scs_entry_jumppad:
0x0: {  	(pc) =	sbr.rel $0x88, $3  }
0x1: {  	(tag) =	ssettag $0x0;
	lr =	simm.s32 $0x1  }
0x2: {  	[smem:$0x3F9E] =	sst lr;
	_ =	strace $0xD0000000  }
0x3: {  	_ = 	snop  }
0x4: {  	_ = 	snop  }
0x5: {  	_ = 	snop  }
0x6: {  	_ = 	snop  }
0x7: {  	_ = 	snop  }
__scs_overlays_trampoline_lowered:
0x8: {  	[smem:$0x3FAD] =	sst s0  }
0x9: {  	[smem:$0x3FAE] =	sst s1  }
0xa: {  	[smem:$0x3FAF] =	sst s2  }
0xb: {  	[smem:$0x3FB0] =	sst s3  }
0xc: {  	[smem:$0x3FB1] =	sst s4  }
0xd: {  	[smem:$0x3FB2] =	sst s5  }
0xe: {  	[smem:$0x3FB3] =	sst s6  }
0xf: {  	[smem:$0x3FB4] =	sst s7  }
0x10: {  	[smem:$0x3FB5] =	sst s8  }
0x11: {  	[smem:$0x3FB6] =	sst s9;
	s0 =	simm.s32 @!p0 $0x0  }
0x12: {  	s1 =	sld [smem:$0x3F9C];
	s0 =	simm.s32 @p0 $0x1  }
0x13: {  	[smem:$0x3FB7] =	sst s0;
	s0 =	simm.s32 @!p1 $0x0  }
0x14: {  	s2 =	sld [smem:$0x3F9B];
	s0 =	simm.s32 @p1 $0x1  }
0x15: {  	[smem:$0x3FB8] =	sst s0;
	s0 =	simm.s32 @!p2 $0x0  }
0x16: {  	s3 =	sld [smem:$0x3FDB];
	s0 =	simm.s32 @p2 $0x1  }
0x17: {  	s4 =	simm.s32 $0x1BF5;
	[smem:$0x3FBA] =	sst s0  }
0x18: {  	s0 =	sld [smem:$0x3F9D];
	_ =	swait.ge [sflag:s4], $0x0  }
0x19: {  	s7 =	sld [smem:$0x3F9E]  }
0x1a: {  	s8 =	sadd.s32 $0xFFFFE003, lr  }
0x1b: {  	s9 =	sadd.s32 $0xFFFFFEF7, lr;
	s5 =	simm.s32 $0xFFFFFFFF;
	p2 =	slt.u32 s8, $0xFFFFF086  }
0x1c: {  	p1 =	slt.u32 s9, $0xF7A;
	s5 =	simm.s32 @!p2 $0x0  }
0x1d: {  	s5 =	simm.s32 @p1 $0x1;
	p0 =	seq.s32 s7, s2  }
0x1e: {  	s7 =	smul.u32 @!p0 $0xF7A, s2;
	p2 =	seq.s32 @!p0 s5, $0x0  }
0x1f: {  	s9 =	smul.u32 $0xF7A, s1;
	s8 =	simm.s32 @!p0 $0x1BF5;
	p2 =	por !p2, p0  }
0x20: {  	[sflag:s8] =	ssyncset.s32 @!p0 $0xFFFFF086;
	s6 =	sadd.s32 @!p0 s3, s7;
	s7 =	simm.s32 @!p0 $0x108  }
0x21: {  	s3 =	sadd.s32 s3, s9;
	s6 =	sadd.s32 @!p0 $0x88, s6;
	s7 =	simm.s32 @p2 $0x1082  }
0x22: {  	[simem:s7], [sflag:s8] =	dma.local @!p0 [hbm:s6], $0xF7A  }
0x23: {  	s9 =	sor.u32 $0xD0000000, s2;
	s6 =	simm.s32 $0x108;
	_ =	swait.ge @!p0 [sflag:s8], $0x0  }
0x24: {  	s3 =	sadd.s32 $0x88, s3;
	s6 =	simm.s32 @!p1 $0x1082;
	[sflag:s4] =	ssyncset.s32 $0xFFFFF086  }
0x25: {  	[simem:s6], [sflag:s4] =	dma.local [hbm:s3], $0xF7A  }
0x26: {  	[smem:$0x3F9E] =	sst s1;
	(tag) =	ssettag s2;
	_ =	strace s9  }
0x27: {  	s1 =	sld [smem:$0x3FAE]  }
0x28: {  	s2 =	sld [smem:$0x3FAF]  }
0x29: {  	s4 =	sld [smem:$0x3FB1]  }
0x2a: {  	p0 =	seq.s32 s5, $0x0;
	s5 =	sld [smem:$0x3FB2]  }
0x2b: {  	s6 =	sld [smem:$0x3FB3]  }
0x2c: {  	s7 =	sld [smem:$0x3FB4]  }
0x2d: {  	s3 =	simm.s32 $0x108;
	s8 =	sld [smem:$0x3FB5]  }
0x2e: {  	s3 =	simm.s32 @!p0 $0x1082;
	s9 =	sld [smem:$0x3FB6]  }
0x2f: {  	lr =	sadd.s32 s0, s3;
	s0 =	sld [smem:$0x3FAD]  }
0x30: {  	s3 =	sld [smem:$0x3FB0]  }
0x31: {  	[smem:$0x3FB9] =	sst s10  }
0x32: {  	s10 =	sld [smem:$0x3FB7];
	_ =	sdelay $0x3  }
0x33: {  	p0 =	seq.s32 s10, $0x1;
	s10 =	sld [smem:$0x3FB9];
	_ =	sdelay $0x3  }
0x34: {  	[smem:$0x3FB9] =	sst s10  }
0x35: {  	s10 =	sld [smem:$0x3FB8];
	_ =	sdelay $0x3  }
0x36: {  	p1 =	seq.s32 s10, $0x1;
	s10 =	sld [smem:$0x3FB9];
	_ =	sdelay $0x3  }
0x37: {  	[smem:$0x3FB9] =	sst s10  }
0x38: {  	s10 =	sld [smem:$0x3FBA]  }
0x39: {  	_ = 	snop;
	(pc) =	sbr.ind lr, $3  }
0x3a: {  	_ = 	snop  }
0x3b: {  	_ = 	snop  }
0x3c: {  	p2 =	seq.s32 s10, $0x1;
	s10 =	sld [smem:$0x3FB9]  }
0x3d: {  	_ =	shalt  }
0x3e: {  	_ =	shalt  }
0x3f: {  	_ =	shalt  }
0x40: {  	_ =	shalt  }
0x41: {  	_ =	shalt  }
0x42: {  	_ =	shalt  }
0x43: {  	_ =	shalt  }
0x44: {  	_ =	shalt  }
0x45: {  	_ =	shalt  }
0x46: {  	_ =	shalt  }
0x47: {  	_ =	shalt  }
0x48: {  	_ =	shalt  }
0x49: {  	_ =	shalt  }
0x4a: {  	_ =	shalt  }
0x4b: {  	_ =	shalt  }
0x4c: {  	_ =	shalt  }
0x4d: {  	_ =	shalt  }
0x4e: {  	_ =	shalt  }
0x4f: {  	_ =	shalt  }
0x50: {  	_ =	shalt  }
0x51: {  	_ =	shalt  }
0x52: {  	_ =	shalt  }
0x53: {  	_ =	shalt  }
0x54: {  	_ =	shalt  }
0x55: {  	_ =	shalt  }
0x56: {  	_ =	shalt  }
0x57: {  	_ =	shalt  }
0x58: {  	_ =	shalt  }
0x59: {  	_ =	shalt  }
0x5a: {  	_ =	shalt  }
0x5b: {  	_ =	shalt  }
0x5c: {  	_ =	shalt  }
0x5d: {  	_ =	shalt  }
0x5e: {  	_ =	shalt  }
0x5f: {  	_ =	shalt  }
0x60: {  	_ =	shalt  }
0x61: {  	_ =	shalt  }
0x62: {  	_ =	shalt  }
0x63: {  	_ =	shalt  }
0x64: {  	_ =	shalt  }
0x65: {  	_ =	shalt  }
0x66: {  	_ =	shalt  }
0x67: {  	_ =	shalt  }
0x68: {  	_ =	shalt  }
0x69: {  	_ =	shalt  }
0x6a: {  	_ =	shalt  }
0x6b: {  	_ =	shalt  }
0x6c: {  	_ =	shalt  }
0x6d: {  	_ =	shalt  }
0x6e: {  	_ =	shalt  }
0x6f: {  	_ =	shalt  }
0x70: {  	_ =	shalt  }
0x71: {  	_ =	shalt  }
0x72: {  	_ =	shalt  }
0x73: {  	_ =	shalt  }
0x74: {  	_ =	shalt  }
0x75: {  	_ =	shalt  }
0x76: {  	_ =	shalt  }
0x77: {  	_ =	shalt  }
0x78: {  	_ =	shalt  }
0x79: {  	_ =	shalt  }
0x7a: {  	_ =	shalt  }
0x7b: {  	_ =	shalt  }
0x7c: {  	_ =	shalt  }
0x7d: {  	_ =	shalt  }
0x7e: {  	_ =	shalt  }
0x7f: {  	_ =	shalt  }
0x80: {  	_ =	shalt  }
0x81: {  	_ =	shalt  }
0x82: {  	_ =	shalt  }
0x83: {  	_ =	shalt  }
0x84: {  	_ =	shalt  }
0x85: {  	_ =	shalt  }
0x86: {  	_ =	shalt  }
0x87: {  	_ =	shalt  }
.Lfunc_end0:
.L_simem_size_0:
called_computation_lowered:
.L_overlay_start_0:
0x88: {  	s2 =	sld [smem:$0x3FD9]  }
0x89: {  	s3 =	sld [smem:$0x3FFE];
	_ =	sdelay $0x1  }
0x8a: {  	s1 =	srdreg.scid  }
0x8b: {  	s0 =	sand.u32 $0x1, s1  }
0x8c: {  	s14 =	sshll.u32 s0, $0xA;
	s2 =	sadd.s32 s3, s2  }
0x8d: {  	s2 =	sadd.s32 s2, s14  }
0x8e: {  	[smem:$0x3FC5] =	sst s2  }
0x8f: {  	_ = 	snop  }
0x90: {  	s2 =	sld [smem:$0x3FD0];
	_ =	sdelay $0x2  }
0x91: {  	s15 =	simm.s32 $0xA;
	s4 =	simm.s32 $0x10  }
0x92: {  	[smem:s4], [sflag:s15] =	dma.local [hbm:s2], $0x1  }
0x93: {  	_ =	swait.eq [sflag:s15], $0x1  }
0x94: {  	[sflag:s15] =	ssyncset.done $0x0  }
0x95: {  	[sflag:s15] =	ssyncadd.s32 $0xFFFFFFFF  }
0x96: {  	s16 =	sld [smem:$0x12];
	(tm) =	ssettm $0x1  }
0x97: {  	s17 =	sld [smem:$0x3FFB];
	_ =	sdelay $0x3  }
0x98: {  	_ =	strace s17  }
0x99: {  	s3 =	sld [smem:$0x3FFC];
	_ =	sdelay $0x3  }
0x9a: {  	_ =	strace s3  }
0x9b: {  	s3 =	sld [smem:$0x3FFD];
	_ =	sdelay $0x3  }
0x9c: {  	_ =	strace s3  }
0x9d: {  	_ =	strace $0x8FFFFFFF  }
0x9e: {  	s18 =	sld [smem:$0x3FDB];
	_ =	sdelay $0x1  }
0x9f: {  	s19 =	simm.s32 $_scs_section_size  }
0xa0: {  	s5 =	simm.s32 $_size__tile_overlayer_lowered;
	s6 =	simm.s32 $_tile_overlayer_lowered  }
0xa1: {  	s22 =	simm.s32 $0x1BFF;
	s21 =	sshll.u32 s6, $0x1;
	s3 =	sadd.s32 s19, s18  }
0xa2: {  	s7 =	simm.s32 $0x0;
	s20 =	sshll.u32 s5, $0x1;
	s5 =	sadd.s32 s21, s3  }
0xa3: {  	[timem:s7], [sflag:s22] =	dma.local [hbm:s5], s20  }
0xa4: {  	_ =	swait.ge [sflag:s22], s20  }
0xa5: {  	s4 =	ssub.s32 $0x0, s20;
	[sflag:s22] =	ssyncset.done $0x0  }
0xa6: {  	[sflag:s22] =	ssyncadd.s32 s4;
	_ =	sdelay $0x1  }
0xa7: {  	s23 =	simm.s32 $0x1B8B  }
0xa8: {  	_ =	swait.ge [sflag:s23], $0x1  }
0xa9: {  	[sflag:s23] =	ssyncset.done $0x0  }
0xaa: {  	s25 =	simm.s32 $0x1B8E;
	s24 =	sld [smem:$0x3FFE];
	[sflag:s23] =	ssyncadd.s32 $0xFFFFFFFF  }
0xab: {  	s26 =	simm.s32 $execute0_lowered;
	[smem:$0x3FD2] =	sst s25  }
0xac: {  	s5 =	sshll.u32 s26, $0x1;
	_ =	strace $0x80000046;
	[dreg:$0x1] =	wrdreg $0xFFFFFFFF  }
0xad: {  	s28 =	simm.s32 $_size_execute0_lowered;
	s3 =	sadd.s32 s3, s5;
	[dreg:$0x0] =	wrdreg $0x0  }
0xae: {  	s5 =	sshll.u32 s28, $0x1;
	[dreg:$0x2] =	wrdreg s3  }
0xaf: {  	[dreg:$0x3] =	wrdreg s5  }
0xb0: {  	[dreg:$0x4] =	wrdreg $0xC0  }
0xb1: {  	_ =	task [dreg:s7], $0x5FFFF  }
0xb2: {  	[dreg:$0x1] =	wrdreg $0xFFFFFFFF  }
0xb3: {  	[dreg:$0x0] =	wrdreg $0x60  }
0xb4: {  	[dreg:$0x2] =	wrdreg s16  }
0xb5: {  	[dreg:$0x3] =	wrdreg s24  }
0xb6: {  	[dreg:$0x4] =	wrdreg $0xC800  }
0xb7: {  	[dreg:$0x5] =	wrdreg $0x9  }
0xb8: {  	_ =	task.clear_ibuf [dreg:s7], $0x6FFFF;
	_ =	strace $0x90000046  }
0xb9: {  	s29 =	simm.s32 $0x9;
	_ =	strace $0x80000048  }
0xba: {  	_ =	swait.ge [sflag:s29], $0x1  }
0xbb: {  	[sflag:s29] =	ssyncadd.s32 $0xFFFFFFFF  }
0xbc: {  	_ =	strace $0x90000048  }
0xbd: {  	_ =	sfence  }
0xbe: {  	s30 =	sld [smem:$0x0];
	_ =	sdelay $0x2  }
0xbf: {  	s31 =	sshll.u32 s1, $0xD;
	s1 =	sshrl.u32 s1, $0x2  }
0xc0: {  	s3 =	sand.u32 $0x4000, s31;
	s1 =	sadd.s32 s1, s30  }
0xc1: {  	s0 =	sor.u32 s3, s0;
	s1 =	sshll.u32 s1, $0x11  }
0xc2: {  	s0 =	sor.u32 s1, s0  }
0xc3: {  	s0 =	sadd.s32 $0x8F2B, s0  }
0xc4: {  	[sflag:s0] =	ssyncadd.remote.s32 $0x1  }
0xc5: {  	_ =	sfence.sel $0xFFFF  }
0xc6: {  	[dreg:$0x0] =	wrdreg $0xFFFFFFFF;
	(pc) =	sbr.abs _section_cstart, $3  }
0xc7: {  	[dreg:$0x1] =	wrdreg $0xFFFFFFFF  }
0xc8: {  	_ =	task.clear_ibuf [dreg:s7], $0x2FFFF;
	_ =	strace $0x9FFFFFFF  }
0xc9: {  	(tm) =	ssettm $0x7FFFFFFF  }
tec
execute0_lowered:
.L_overlay_start_1:
0x0: {  	(tag) =	ssettag $0x1  }
0x1: {  	s3 =	rddreg [dreg:$0x0]  }
0x2: {  	s4 =	rddreg [dreg:$0x1]  }
0x3: {  	s1 =	rddreg [dreg:$0x2]  }
0x4: {  	s0 =	rddreg [dreg:$0x3];
	s2 =	simm.s32 $0x0;
	s5 =	srdreg.scid  }
0x5: {  	s7 =	stileid.u32;
	s10 =	simm.s32 $0x100;
	s11 =	simm.s32 $0x180  }
0x6: {  	s12 =	simm.s32 $0x200;
	s13 =	simm.s32 $0x280;
	s14 =	simm.s32 $0x300  }
0x7: {  	s15 =	simm.s32 $0x380;
	s16 =	simm.s32 $0x400;
	s17 =	simm.s32 $0x480  }
0x8: {  	s18 =	simm.s32 $0x500;
	s19 =	simm.s32 $0x580;
	s20 =	simm.s32 $0x600  }
0x9: {  	s21 =	simm.s32 $0x680;
	s22 =	simm.s32 $0x700;
	s23 =	simm.s32 $0x780  }
0xa: {  	[smem:$0x7FF] =	sst s2;
	s5 =	sand.u32 $0x1, s5;
	s8 =	sshll.u32 s7, $0x8  }
0xb: {  	p0 =	sne.s32 s7, $0x0;
	s7 =	simm.s32 $0x880;
	_ =	strace $0x80000047  }
.Ltmp0:
0xc: {  	s6 =	sshll.u32 s5, $0x4;
	s31 =	ssub.s32 $0x2, s5;
	(pc) =	sbr.rel .LBB2_1-.Ltmp0, $4  }
0xd: {  	s5 =	sshll.u32 s5, $0xC;
	s3 =	sadd.s32 s3, s8;
	s8 =	simm.s32 $0x80  }
0xe: {  	s24 =	sshrl.u32 @!p0 s1, $0x3;
	s4 =	sadd.s32 s6, s4;
	s9 =	sshrl.u32 s31, $0x1  }
0xf: {  	s3 =	sadd.s32 s5, s3;
	s6 =	ssub.s32 s31, s9;
	s4 =	sadd.s32 $0x800, s4  }
0x10: {  	v0 =	vimm.f32 $1.000000000e+00;
	v1 =	vimm.f32 $0.0e+00;
	s9 =	simm.s32 $0x800;
	s5 =	smax.u32 s6, $0x1;
	s6 =	simm.s32 $0x1  }
.LBB2_3:
0x11: {  	[bflag:$0x0] =	sbarrier.arrive $0xFFFF  }
0x12: {  	[spmem:s1] =	stream.indirect.scatter.add.f32 [tilespmem:s9], [sflag:$0x1], $0x1, s2, s8, $0xb8;
	[tilespmem:$0xCC0] =	vst v63  }
0x13: {  	_ =	swait.ge [sflag:s6], $0x80  }
0x14: {  	[sflag:s6] =	ssyncset.done $0x0  }
0x15: {  	[sflag:s6] =	ssyncadd.s32 $0xFFFFFF80  }
0x16: {  	[spmem:s1] =	stream.indirect.scatter.add.f32 [tilespmem:s9], [sflag:$0x1], $0x1, s8, s8, $0xb8;
	[tilespmem:$0xCC0] =	vst v63  }
0x17: {  	_ =	swait.ge [sflag:s6], $0x80  }
0x18: {  	[sflag:s6] =	ssyncset.done $0x0  }
0x19: {  	[sflag:s6] =	ssyncadd.s32 $0xFFFFFF80  }
0x1a: {  	[spmem:s1] =	stream.indirect.scatter.add.f32 [tilespmem:s9], [sflag:$0x1], $0x1, s10, s8, $0xb8;
	[tilespmem:$0xCC0] =	vst v63  }
0x1b: {  	_ =	swait.ge [sflag:s6], $0x80  }
0x1c: {  	[sflag:s6] =	ssyncset.done $0x0  }
0x1d: {  	[sflag:s6] =	ssyncadd.s32 $0xFFFFFF80  }
0x1e: {  	[spmem:s1] =	stream.indirect.scatter.add.f32 [tilespmem:s9], [sflag:$0x1], $0x1, s11, s8, $0xb8;
	[tilespmem:$0xCC0] =	vst v63  }
0x1f: {  	_ =	swait.ge [sflag:s6], $0x80  }
0x20: {  	[sflag:s6] =	ssyncset.done $0x0  }
0x21: {  	[sflag:s6] =	ssyncadd.s32 $0xFFFFFF80  }
0x22: {  	[spmem:s1] =	stream.indirect.scatter.add.f32 [tilespmem:s9], [sflag:$0x1], $0x1, s12, s8, $0xb8;
	[tilespmem:$0xCC0] =	vst v63  }
0x23: {  	_ =	swait.ge [sflag:s6], $0x80  }
0x24: {  	[sflag:s6] =	ssyncset.done $0x0  }
0x25: {  	[sflag:s6] =	ssyncadd.s32 $0xFFFFFF80  }
0x26: {  	[spmem:s1] =	stream.indirect.scatter.add.f32 [tilespmem:s9], [sflag:$0x1], $0x1, s13, s8, $0xb8;
	[tilespmem:$0xCC0] =	vst v63  }
0x27: {  	_ =	swait.ge [sflag:s6], $0x80  }
0x28: {  	[sflag:s6] =	ssyncset.done $0x0  }
0x29: {  	[sflag:s6] =	ssyncadd.s32 $0xFFFFFF80  }
0x2a: {  	[spmem:s1] =	stream.indirect.scatter.add.f32 [tilespmem:s9], [sflag:$0x1], $0x1, s14, s8, $0xb8;
	[tilespmem:$0xCC0] =	vst v63  }
0x2b: {  	_ =	swait.ge [sflag:s6], $0x80  }
0x2c: {  	[sflag:s6] =	ssyncset.done $0x0  }
0x2d: {  	[sflag:s6] =	ssyncadd.s32 $0xFFFFFF80  }
0x2e: {  	[spmem:s1] =	stream.indirect.scatter.add.f32 [tilespmem:s9], [sflag:$0x1], $0x1, s15, s8, $0xb8;
	[tilespmem:$0xCC0] =	vst v63  }
0x2f: {  	_ =	swait.ge [sflag:s6], $0x80  }
0x30: {  	[sflag:s6] =	ssyncset.done $0x0  }
0x31: {  	[sflag:s6] =	ssyncadd.s32 $0xFFFFFF80  }
0x32: {  	[spmem:s1] =	stream.indirect.scatter.add.f32 [tilespmem:s9], [sflag:$0x1], $0x1, s16, s8, $0xb8;
	[tilespmem:$0xCC0] =	vst v63  }
0x33: {  	_ =	swait.ge [sflag:s6], $0x80  }
0x34: {  	[sflag:s6] =	ssyncset.done $0x0  }
0x35: {  	[sflag:s6] =	ssyncadd.s32 $0xFFFFFF80  }
0x36: {  	[spmem:s1] =	stream.indirect.scatter.add.f32 [tilespmem:s9], [sflag:$0x1], $0x1, s17, s8, $0xb8;
	[tilespmem:$0xCC0] =	vst v63  }
0x37: {  	_ =	swait.ge [sflag:s6], $0x80  }
0x38: {  	[sflag:s6] =	ssyncset.done $0x0  }
0x39: {  	[sflag:s6] =	ssyncadd.s32 $0xFFFFFF80  }
0x3a: {  	[spmem:s1] =	stream.indirect.scatter.add.f32 [tilespmem:s9], [sflag:$0x1], $0x1, s18, s8, $0xb8;
	[tilespmem:$0xCC0] =	vst v63  }
0x3b: {  	_ =	swait.ge [sflag:s6], $0x80  }
0x3c: {  	[sflag:s6] =	ssyncset.done $0x0  }
0x3d: {  	[sflag:s6] =	ssyncadd.s32 $0xFFFFFF80  }
0x3e: {  	[spmem:s1] =	stream.indirect.scatter.add.f32 [tilespmem:s9], [sflag:$0x1], $0x1, s19, s8, $0xb8;
	[tilespmem:$0xCC0] =	vst v63  }
0x3f: {  	_ =	swait.ge [sflag:s6], $0x80  }
0x40: {  	[sflag:s6] =	ssyncset.done $0x0  }
0x41: {  	[sflag:s6] =	ssyncadd.s32 $0xFFFFFF80  }
0x42: {  	[spmem:s1] =	stream.indirect.scatter.add.f32 [tilespmem:s9], [sflag:$0x1], $0x1, s20, s8, $0xb8;
	[tilespmem:$0xCC0] =	vst v63  }
0x43: {  	_ =	swait.ge [sflag:s6], $0x80  }
0x44: {  	[sflag:s6] =	ssyncset.done $0x0  }
0x45: {  	[sflag:s6] =	ssyncadd.s32 $0xFFFFFF80  }
0x46: {  	[spmem:s1] =	stream.indirect.scatter.add.f32 [tilespmem:s9], [sflag:$0x1], $0x1, s21, s8, $0xb8;
	[tilespmem:$0xCC0] =	vst v63  }
0x47: {  	_ =	swait.ge [sflag:s6], $0x80  }
0x48: {  	[sflag:s6] =	ssyncset.done $0x0  }
0x49: {  	[sflag:s6] =	ssyncadd.s32 $0xFFFFFF80  }
0x4a: {  	[spmem:s1] =	stream.indirect.scatter.add.f32 [tilespmem:s9], [sflag:$0x1], $0x1, s22, s8, $0xb8;
	[tilespmem:$0xCC0] =	vst v63  }
0x4b: {  	_ =	swait.ge [sflag:s6], $0x80  }
0x4c: {  	[sflag:s6] =	ssyncset.done $0x0  }
0x4d: {  	[sflag:s6] =	ssyncadd.s32 $0xFFFFFF80  }
0x4e: {  	[spmem:s1] =	stream.indirect.scatter.add.f32 [tilespmem:s9], [sflag:$0x1], $0x1, s23, s8, $0xb8;
	[tilespmem:$0xCC0] =	vst v63  }
0x4f: {  	s25 =	simm.s32 @!p0 $0x1;
	_ =	swait.ge [sflag:s6], $0x80  }
0x50: {  	s26 =	simm.s32 @!p0 $0x20;
	s5 =	sadd.s32 $0xFFFFFFFF, s5;
	[sflag:s6] =	ssyncset.done $0x0  }
0x51: {  	s28 =	simm.s32 @!p0 $0x10;
	p1 =	sne.s32 s5, $0x0;
	[sflag:s6] =	ssyncadd.s32 $0xFFFFFF80  }
.Ltmp1:
0x52: {  	s29 =	simm.s32 @!p0 $0x1C01;
	[bflag:$0x0] =	sbarrier.arrive $0xFFFF;
	(pc) =	sbr.rel @!p1 .LBB2_4-.Ltmp1, $4  }
0x53: {  	[hbm:s4@s26], [sflag:s29] =	dma.strided @!p0 [spmem:s24@s28], $0x80, s25, $0x10   }
0x54: {  	_ =	swait.ge @!p0 [sflag:s25], $0x80  }
0x55: {  	[sflag:s25] =	ssyncset.done @!p0 $0x0  }
0x56: {  	[sflag:s25] =	ssyncadd.s32 @!p0 $0xFFFFFF80  }
.LBB2_1:
0x57: {  	[tilespmem:s2], [sflag:$0x1] =	stream.linear.gather [hbm4b:s3+s2], $0x800, $0x38;
	[tilespmem:$0xCC0] =	vst v63  }
0x58: {  	_ =	swait.ge [sflag:s6], $0x800  }
0x59: {  	[sflag:s6] =	ssyncset.done $0x0  }
0x5a: {  	[sflag:s6] =	ssyncadd.s32 $0xFFFFF800  }
0x5b: {  	[tilespmem:$0x800] =	vst v0  }
0x5c: {  	[tilespmem:$0x810] =	vst v0  }
0x5d: {  	[tilespmem:$0x820] =	vst v0  }
.Ltmp2:
0x5e: {  	[tilespmem:$0x830] =	vst v0;
	(pc) =	sbr.rel @p0 .LBB2_3-.Ltmp2, $4  }
0x5f: {  	[tilespmem:$0x840] =	vst v0  }
0x60: {  	[tilespmem:$0x850] =	vst v0  }
0x61: {  	[tilespmem:$0x860] =	vst v0  }
0x62: {  	[tilespmem:$0x870] =	vst v0  }
0x63: {  	[tilespmem:$0x880] =	vst v1  }
0x64: {  	[tilespmem:$0x890] =	vst v1  }
0x65: {  	[tilespmem:$0x8A0] =	vst v1  }
0x66: {  	[tilespmem:$0x8B0] =	vst v1  }
0x67: {  	[tilespmem:$0x8C0] =	vst v1  }
0x68: {  	[tilespmem:$0x8D0] =	vst v1  }
0x69: {  	[tilespmem:$0x8E0] =	vst v1  }
0x6a: {  	[tilespmem:$0x8F0] =	vst v1  }
0x6b: {  	[tilespmem:$0x900] =	vst v1  }
0x6c: {  	[tilespmem:$0x910] =	vst v1  }
0x6d: {  	[tilespmem:$0x920] =	vst v1  }
0x6e: {  	[tilespmem:$0x930] =	vst v1  }
0x6f: {  	[tilespmem:$0x940] =	vst v1  }
0x70: {  	[tilespmem:$0x950] =	vst v1  }
0x71: {  	[tilespmem:$0x960] =	vst v1  }
0x72: {  	[tilespmem:$0x970] =	vst v1  }
0x73: {  	[tilespmem:$0x980] =	vst v1  }
0x74: {  	[tilespmem:$0x990] =	vst v1  }
0x75: {  	[tilespmem:$0x9A0] =	vst v1  }
0x76: {  	[tilespmem:$0x9B0] =	vst v1  }
0x77: {  	[tilespmem:$0x9C0] =	vst v1  }
0x78: {  	[tilespmem:$0x9D0] =	vst v1  }
0x79: {  	[tilespmem:$0x9E0] =	vst v1  }
0x7a: {  	[tilespmem:$0x9F0] =	vst v1  }
0x7b: {  	[tilespmem:$0xA00] =	vst v1  }
0x7c: {  	[tilespmem:$0xA10] =	vst v1  }
0x7d: {  	[tilespmem:$0xA20] =	vst v1  }
0x7e: {  	[tilespmem:$0xA30] =	vst v1  }
0x7f: {  	[tilespmem:$0xA40] =	vst v1  }
0x80: {  	[tilespmem:$0xA50] =	vst v1  }
0x81: {  	[tilespmem:$0xA60] =	vst v1  }
0x82: {  	[tilespmem:$0xA70] =	vst v1  }
0x83: {  	[tilespmem:$0xA80] =	vst v1  }
0x84: {  	[tilespmem:$0xA90] =	vst v1  }
0x85: {  	[tilespmem:$0xAA0] =	vst v1  }
0x86: {  	[tilespmem:$0xAB0] =	vst v1  }
0x87: {  	[tilespmem:$0xAC0] =	vst v1  }
0x88: {  	[tilespmem:$0xAD0] =	vst v1  }
0x89: {  	[tilespmem:$0xAE0] =	vst v1  }
0x8a: {  	[tilespmem:$0xAF0] =	vst v1  }
0x8b: {  	[tilespmem:$0xB00] =	vst v1  }
0x8c: {  	[tilespmem:$0xB10] =	vst v1  }
0x8d: {  	[tilespmem:$0xB20] =	vst v1  }
0x8e: {  	[tilespmem:$0xB30] =	vst v1  }
0x8f: {  	[tilespmem:$0xB40] =	vst v1  }
0x90: {  	[tilespmem:$0xB50] =	vst v1  }
0x91: {  	[tilespmem:$0xB60] =	vst v1  }
0x92: {  	[tilespmem:$0xB70] =	vst v1  }
0x93: {  	[tilespmem:$0xB80] =	vst v1  }
0x94: {  	[tilespmem:$0xB90] =	vst v1  }
0x95: {  	[tilespmem:$0xBA0] =	vst v1  }
0x96: {  	[tilespmem:$0xBB0] =	vst v1  }
0x97: {  	[tilespmem:$0xBC0] =	vst v1  }
0x98: {  	[tilespmem:$0xBD0] =	vst v1  }
0x99: {  	[tilespmem:$0xBE0] =	vst v1  }
0x9a: {  	[tilespmem:$0xBF0] =	vst v1  }
0x9b: {  	[tilespmem:$0xC00] =	vst v1  }
0x9c: {  	[tilespmem:$0xC10] =	vst v1  }
0x9d: {  	[tilespmem:$0xC20] =	vst v1  }
0x9e: {  	[tilespmem:$0xC30] =	vst v1  }
0x9f: {  	[tilespmem:$0xC40] =	vst v1  }
0xa0: {  	[tilespmem:$0xC50] =	vst v1  }
0xa1: {  	[tilespmem:$0xC60] =	vst v1  }
.Ltmp3:
0xa2: {  	[tilespmem:$0xC70] =	vst v1;
	(pc) =	sbr.rel .LBB2_3-.Ltmp3, $4  }
0xa3: {  	[spmem:s1] =	stream.linear.scatter [tilespmem:s7], [sflag:$0x1], $0x400, $0x38;
	[tilespmem:$0xCC0] =	vst v63  }
0xa4: {  	_ =	swait.ge [sflag:s6], $0x400  }
0xa5: {  	[sflag:s6] =	ssyncset.done $0x0  }
0xa6: {  	[sflag:s6] =	ssyncadd.s32 $0xFFFFFC00  }
.LBB2_4:
0xa7: {  	_ =	sfence.sel $0x180000  }
0xa8: {  	[bflag:$0x0] =	sbarrier.arrive $0xFFFF  }
0xa9: {  	_ =	strace $0x90000047  }
0xaa: {  	s0 =	sadd.s32 @!p0 $0x100000, s0;
	[bflag:$0x2] =	sbarrier.arrive $0xFFFF  }
0xab: {  	[sflag:s0] =	ssyncadd.tile.s32 @!p0 $0x1;
	_ =	shalt  }
.Lfunc_end2:
_tile_overlayer_lowered:
.L_overlay_start_2:
0xac: {  	(tag) =	ssettag $0x2  }
0xad: {  	s0 =	rddreg [dreg:$0x0];
	s2 =	stileid.u32  }
0xae: {  	s1 =	rddreg [dreg:$0x1];
	p0 =	sne.s32 s2, $0x0  }
0xaf: {  	s3 =	rddreg [dreg:$0x2];
	[bflag:$0x3] =	sbarrier.arrive $0xFFFF;
	s2 =	simm.s32 @!p0 $0x1C01  }
0xb0: {  	[timem:s3], [sflag:s2] =	dma.local @!p0 [hbm:s0], s1  }
0xb1: {  	s0 =	simm.s32 @!p0 $0x1  }
0xb2: {  	_ =	swait.ge @!p0 [sflag:s0], s1  }
0xb3: {  	s1 =	ssub.s32 @!p0 $0x0, s1;
	[sflag:s0] =	ssyncset.done @!p0 $0x0  }
0xb4: {  	[sflag:s0] =	ssyncadd.s32 @!p0 s1  }
0xb5: {  	[bflag:$0x3] =	sbarrier.arrive $0xFFFF  }
0xb6: {  	_ =	shalt  }

</sc_bundles>
